<compile_context>
chip_gen: v7x
topology: tpu7x:2x2x1
jax: 0.10.2.dev20260603
libtpu: 0.0.44.dev20260713+nightly
codegen_flags: <defaults>
</compile_context>

<pallas_src>
import functools

import jax
import jax.numpy as jnp
from jax import lax
from jax.experimental import pallas as pl
from jax.experimental.pallas import tpu as pltpu
from jax.experimental.pallas import tpu_sc as plsc

_N_CODES = 8192
_CODE_DIM = 256
_BETA = 0.25

_R = 1024
_K = 1024

_NC = 2
_NS = 16
_NW = _NC * _NS


def _assign(flat, cb):
    M, D = flat.shape
    N = cb.shape[0]
    gi, gk = M // _R, N // _K

    def body(x_ref, c_ref, idx_ref, commit_ref, mincmp, minval):
        i = pl.program_id(0)
        k = pl.program_id(1)
        x = x_ref[...]
        c = c_ref[...]
        fn = jnp.sum(x * x, axis=1, keepdims=True)
        cn = jnp.sum(c * c, axis=1)[None, :]

        def rtne_bf16(v):
            u = lax.bitcast_convert_type(v, jnp.uint32)
            u = u + jnp.uint32(0x7FFF) + ((u >> 16) & jnp.uint32(1))
            return lax.bitcast_convert_type(u & jnp.uint32(0xFFFF0000),
                                            jnp.float32)

        dot = lax.dot_general(rtne_bf16(x), rtne_bf16(c),
                              (((1,), (1,)), ((), ())),
                              preferred_element_type=jnp.float32)
        d = fn - 2.0 * dot + cn
        bmin = jnp.min(d, axis=1)
        cols = lax.broadcasted_iota(jnp.int32, (_R, _K), 1)
        barg = jnp.min(jnp.where(d == bmin[:, None], cols, N), axis=1) + k * _K

        @pl.when(k == 0)
        def _():
            mincmp[...] = bmin.astype(jnp.bfloat16).astype(jnp.float32)
            minval[...] = bmin
            idx_ref[...] = barg

        @pl.when(k != 0)
        def _():
            better = bmin < mincmp[...]
            nv = jnp.where(better, bmin, mincmp[...])
            mincmp[...] = nv.astype(jnp.bfloat16).astype(jnp.float32)
            minval[...] = jnp.where(better, bmin, minval[...])
            idx_ref[...] = jnp.where(better, barg, idx_ref[...])

        @pl.when(k == gk - 1)
        def _():
            @pl.when(i == 0)
            def _():
                commit_ref[...] = jnp.zeros((1, 1), jnp.float32)
            commit_ref[...] = commit_ref[...] + jnp.sum(minval[...])[None, None]

    return pl.pallas_call(
        body,
        grid=(gi, gk),
        in_specs=[pl.BlockSpec((_R, D), lambda i, k: (i, 0)),
                  pl.BlockSpec((_K, D), lambda i, k: (k, 0))],
        out_specs=[pl.BlockSpec((_R,), lambda i, k: (i,)),
                   pl.BlockSpec((1, 1), lambda i, k: (0, 0))],
        out_shape=[jax.ShapeDtypeStruct((M,), jnp.int32),
                   jax.ShapeDtypeStruct((1, 1), jnp.float32)],
        scratch_shapes=[pltpu.VMEM((_R,), jnp.float32),
                        pltpu.VMEM((_R,), jnp.float32)],
        compiler_params=pltpu.CompilerParams(
            dimension_semantics=("arbitrary", "arbitrary")),
    )(flat, cb)


def _gather_count(codebook, idx, zeros, ones):
    M = idx.shape[0]
    bpw = M // _NW
    ch = 128
    mesh = plsc.VectorSubcoreMesh(core_axis_name="c", subcore_axis_name="s")

    @functools.partial(
        pl.kernel,
        out_type=(jax.ShapeDtypeStruct((M, _CODE_DIM), jnp.float32),
                  jax.ShapeDtypeStruct((_NC, _N_CODES), jnp.float32)),
        mesh=mesh,
        scratch_types=[
            pltpu.VMEM((bpw,), jnp.int32),
            pltpu.VMEM((ch, _CODE_DIM), jnp.float32),
            pltpu.VMEM((bpw,), jnp.float32),
            pltpu.VMEM_SHARED((_N_CODES,), jnp.float32),
            pltpu.SemaphoreType.DMA,
        ],
    )
    def k(cb_hbm, idx_hbm, zeros_hbm, ones_hbm, zq_hbm, counts_hbm,
          idx_v, rows_v, ones_v, cshared, sem):
        cid = lax.axis_index("c")
        sid = lax.axis_index("s")
        wid = sid * _NC + cid
        base = wid * bpw
        pltpu.sync_copy(idx_hbm.at[pl.ds(base, bpw)], idx_v)

        @pl.when(sid == 0)
        def _():
            pltpu.sync_copy(zeros_hbm, cshared)
        plsc.subcore_barrier()
        pltpu.sync_copy(ones_hbm, ones_v)
        pltpu.sync_copy(ones_v, cshared.at[idx_v], add=True)

        for c in range(bpw // ch):
            pltpu.async_copy(cb_hbm.at[idx_v.at[pl.ds(c * ch, ch)]],
                             rows_v, sem).wait()
            pltpu.sync_copy(rows_v, zq_hbm.at[pl.ds(base + c * ch, ch)])

        plsc.subcore_barrier()

        @pl.when(sid == 0)
        def _():
            pltpu.sync_copy(cshared, counts_hbm.at[cid])

    return k(codebook, idx, zeros, ones)


def _ppl(counts2):
    def body(c_ref, out_ref):
        c = c_ref[0:1, :] + c_ref[1:2, :]
        s = jnp.sum(c)
        p = c / jnp.maximum(s, 1.0)
        safe = jnp.where(p > 0, p, 1.0)
        plogp = jnp.where(p > 0, p * jnp.log(safe), 0.0)
        out_ref[...] = jnp.exp(-jnp.sum(plogp))[None, None]

    return pl.pallas_call(
        body,
        out_shape=jax.ShapeDtypeStruct((1, 1), jnp.float32),
    )(counts2)


def kernel(z_e, codebook):
    B, T, D = z_e.shape
    flat = z_e.reshape(-1, D)
    M = flat.shape[0]
    idx, commit_raw = _assign(flat, codebook)
    zeros = jnp.zeros((_N_CODES,), jnp.float32)
    ones = jnp.ones((M // _NW,), jnp.float32)
    z_q, counts2 = _gather_count(codebook, idx, zeros, ones)
    ppl = _ppl(counts2)
    commit = commit_raw[0, 0] * (_BETA / (M * D))
    codebook_loss = jnp.zeros((), jnp.float32)
    return (z_q.reshape(B, T, D), commit.reshape(()), codebook_loss,
            ppl[0, 0].reshape(()), idx.reshape(B, T))

# --- scband reference (transcript-rebuilt; emitter-appended) ---
"""Pipeline reference for scband-vector-quantizer-28518582845581 (READ-ONLY COPY).

The authoritative reference and input builder live on the scoring server;
editing this copy changes nothing except your own understanding.
"""

import jax, jax.numpy as jnp
import numpy as np

N_CODES = 8192
CODE_DIM = 256
BETA = 0.25


def setup_inputs(seed: int = 0) -> dict:
    key = jax.random.key(seed)
    k1, k2 = jax.random.split(key)
    z_e = jax.random.normal(k1, (16, 1024, CODE_DIM), dtype=jnp.float32)
    codebook = jax.random.normal(k2, (N_CODES, CODE_DIM), dtype=jnp.float32)
    return {"z_e": z_e, "codebook": codebook}


def reference(z_e, codebook):
    B, T, D = z_e.shape
    flat = z_e.reshape(-1, D)
    d = (jnp.sum(flat * flat, axis=1, keepdims=True)
         - 2.0 * (flat @ codebook.T)
         + jnp.sum(codebook * codebook, axis=1, keepdims=True).T)
    idx = jnp.argmin(d, axis=1)
    z_q = jnp.take(codebook, idx, axis=0).reshape(B, T, D)
    commit = BETA * jnp.mean((z_e - jax.lax.stop_gradient(z_q)) ** 2)
    codebook_loss = jnp.mean((jax.lax.stop_gradient(z_e) - z_q) ** 2)
    # ema=True -> codebook loss detached and zeroed (matches torch reference)
    codebook_loss = jax.lax.stop_gradient(codebook_loss) * 0.0
    # straight-through estimator
    z_q_st = z_e + jax.lax.stop_gradient(z_q - z_e)
    probs = jnp.bincount(idx, minlength=N_CODES, length=N_CODES).astype(jnp.float32)
    probs = probs / jnp.maximum(probs.sum(), 1.0)
    safe = jnp.where(probs > 0, probs, 1.0)
    plogp = jnp.where(probs > 0, probs * jnp.log(safe), 0.0)
    perplexity = jnp.exp(-plogp.sum())
    return (z_q_st, commit, codebook_loss, perplexity, idx.reshape(B, T))

if __name__ == "__main__":
    import jax
    _d = setup_inputs()
    print(jax.jit(kernel)(*tuple(_d.values())))

</pallas_src>

<mosaic_0001>
#map = affine_map<(d0, d1) -> (0, 0)>
#map1 = affine_map<(d0, d1) -> (0)>
module attributes {stable_mosaic.version = 14 : i64} {
  func.func @k(%arg0: i32, %arg1: i32, %arg2: memref<8192x256xf32, #tpu.memory_space<hbm>>, %arg3: memref<16384xi32, #tpu.memory_space<hbm>>, %arg4: memref<8192xf32, #tpu.memory_space<hbm>>, %arg5: memref<512xf32, #tpu.memory_space<hbm>>, %arg6: memref<16384x256xf32, #tpu.memory_space<hbm>>, %arg7: memref<2x8192xf32, #tpu.memory_space<hbm>>, %arg8: memref<512xi32, #tpu.memory_space<vmem>>, %arg9: memref<128x256xf32, #tpu.memory_space<vmem>>, %arg10: memref<512xf32, #tpu.memory_space<vmem>>, %arg11: memref<8192xf32, #tpu.memory_space<vmem_shared>>, %arg12: memref<!tpu.dma_semaphore, #tpu.memory_space<semaphore_mem>>) attributes {dimension_semantics = [#tpu.dimension_semantics<core_parallel>, #tpu.dimension_semantics<subcore_parallel>], iteration_bounds = array<i64: 2, 16>, scalar_prefetch = 0 : i64, scratch_operands = 5 : i64, tpu.core_type = #tpu.core_type<sc_vector_subcore>, window_params = [{transform_indices = #map}, {transform_indices = #map1}, {transform_indices = #map1}, {transform_indices = #map1}, {transform_indices = #map}, {transform_indices = #map}]} {
    %mul3A = arith.constant 2 : i32
    %mul3A_0 = arith.muli %arg1, %mul3A : i32
    %add3A = arith.addi %mul3A_0, %arg0 : i32
    %mul3A_1 = arith.constant 512 : i32
    %mul3A_2 = arith.muli %add3A, %mul3A_1 : i32
    "tpu.region"() ({
      %run_scoped3A = tpu.sem_alloc : memref<!tpu.dma_semaphore, #tpu.memory_space<semaphore_mem>>
      %dma_start3A_57 = tpu.memref_slice %arg3[%mul3A_2] : memref<16384xi32, #tpu.memory_space<hbm>> -> memref<512xi32, #tpu.memory_space<hbm>>
      %dma_start3A_58 = tpu.memref_slice %arg3[%mul3A_2] : memref<16384xi32, #tpu.memory_space<hbm>> -> memref<512xi32, #tpu.memory_space<hbm>>
      tpu.enqueue_dma source(%dma_start3A_58 : memref<512xi32, #tpu.memory_space<hbm>>) target(%arg8 : memref<512xi32, #tpu.memory_space<vmem>>) target_semaphore(%run_scoped3A : memref<!tpu.dma_semaphore, #tpu.memory_space<semaphore_mem>>)
      %dma_wait3A_59 = tpu.memref_slice %arg3[%mul3A_2] : memref<16384xi32, #tpu.memory_space<hbm>> -> memref<512xi32, #tpu.memory_space<hbm>>
      %dma_wait3A_60 = tpu.memref_slice %arg3[%mul3A_2] : memref<16384xi32, #tpu.memory_space<hbm>> -> memref<512xi32, #tpu.memory_space<hbm>>
      tpu.wait_dma2 semaphore(%run_scoped3A : memref<!tpu.dma_semaphore, #tpu.memory_space<semaphore_mem>>) src(%dma_wait3A_60 : memref<512xi32, #tpu.memory_space<hbm>>) dst(%arg8 : memref<512xi32, #tpu.memory_space<vmem>>)
      tpu.yield
    }) : () -> ()
    %eq3A = arith.constant 0 : i32
    %eq3A_3 = arith.cmpi eq, %arg1, %eq3A : i32
    %convert_element_type3A = arith.extui %eq3A_3 : i1 to i32
    %cond3A = arith.constant 0 : i32
    %cond3A_4 = arith.cmpi ne, %convert_element_type3A, %cond3A : i32
    scf.if %cond3A_4 {
      "tpu.region"() ({
        %run_scoped3A = tpu.sem_alloc : memref<!tpu.dma_semaphore, #tpu.memory_space<semaphore_mem>>
        tpu.enqueue_dma source(%arg4 : memref<8192xf32, #tpu.memory_space<hbm>>) target(%arg11 : memref<8192xf32, #tpu.memory_space<vmem_shared>>) target_semaphore(%run_scoped3A : memref<!tpu.dma_semaphore, #tpu.memory_space<semaphore_mem>>)
        tpu.wait_dma2 semaphore(%run_scoped3A : memref<!tpu.dma_semaphore, #tpu.memory_space<semaphore_mem>>) src(%arg4 : memref<8192xf32, #tpu.memory_space<hbm>>) dst(%arg11 : memref<8192xf32, #tpu.memory_space<vmem_shared>>)
        tpu.yield
      }) : () -> ()
    } else {
    }
    %barrier3A = arith.constant 0 : index
    tpu.barrier barrier_id(%barrier3A)
    "tpu.region"() ({
      %run_scoped3A = tpu.sem_alloc : memref<!tpu.dma_semaphore, #tpu.memory_space<semaphore_mem>>
      tpu.enqueue_dma source(%arg5 : memref<512xf32, #tpu.memory_space<hbm>>) target(%arg10 : memref<512xf32, #tpu.memory_space<vmem>>) target_semaphore(%run_scoped3A : memref<!tpu.dma_semaphore, #tpu.memory_space<semaphore_mem>>)
      tpu.wait_dma2 semaphore(%run_scoped3A : memref<!tpu.dma_semaphore, #tpu.memory_space<semaphore_mem>>) src(%arg5 : memref<512xf32, #tpu.memory_space<hbm>>) dst(%arg10 : memref<512xf32, #tpu.memory_space<vmem>>)
      tpu.yield
    }) : () -> ()
    "tpu.region"() ({
      %run_scoped3A = tpu.sem_alloc : memref<!tpu.dma_semaphore, #tpu.memory_space<semaphore_mem>>
      %dma_start3A_57 = arith.constant 0 : i32
      %dma_start3A_58 = tpu.memref_slice %arg11[%dma_start3A_57] : memref<8192xf32, #tpu.memory_space<vmem_shared>> -> memref<8192xf32, #tpu.memory_space<vmem_shared>>
      tpu.enqueue_indirect_dma source(%arg10 : memref<512xf32, #tpu.memory_space<vmem>>) target(%dma_start3A_58 : memref<8192xf32, #tpu.memory_space<vmem_shared>>) offsets(%arg8 : memref<512xi32, #tpu.memory_space<vmem>>) semaphore(%run_scoped3A : memref<!tpu.dma_semaphore, #tpu.memory_space<semaphore_mem>>) {add = true}
      %dma_wait3A_59 = arith.constant 0 : i32
      %dma_wait3A_60 = tpu.memref_slice %arg11[%dma_wait3A_59] : memref<8192xf32, #tpu.memory_space<vmem_shared>> -> memref<8192xf32, #tpu.memory_space<vmem_shared>>
      tpu.wait_indirect_dma semaphore(%run_scoped3A : memref<!tpu.dma_semaphore, #tpu.memory_space<semaphore_mem>>) src(%arg10 : memref<512xf32, #tpu.memory_space<vmem>>) dst(%dma_wait3A_60 : memref<8192xf32, #tpu.memory_space<vmem_shared>>)
      tpu.yield
    }) : () -> ()
    %dma_start3A = arith.constant 0 : i32
    %dma_start3A_5 = tpu.memref_slice %arg8[%dma_start3A] : memref<512xi32, #tpu.memory_space<vmem>> -> memref<128xi32, #tpu.memory_space<vmem>>
    %dma_start3A_6 = arith.constant 0 : i32
    %dma_start3A_7 = arith.constant 0 : i32
    %dma_start3A_8 = tpu.memref_slice %arg2[%dma_start3A_6, %dma_start3A_7] : memref<8192x256xf32, #tpu.memory_space<hbm>> -> memref<8192x256xf32, #tpu.memory_space<hbm>>
    tpu.enqueue_indirect_dma source(%dma_start3A_8 : memref<8192x256xf32, #tpu.memory_space<hbm>>) target(%arg9 : memref<128x256xf32, #tpu.memory_space<vmem>>) offsets(%dma_start3A_5 : memref<128xi32, #tpu.memory_space<vmem>>) semaphore(%arg12 : memref<!tpu.dma_semaphore, #tpu.memory_space<semaphore_mem>>)
    %dma_wait3A = arith.constant 0 : i32
    %dma_wait3A_9 = tpu.memref_slice %arg8[%dma_wait3A] : memref<512xi32, #tpu.memory_space<vmem>> -> memref<128xi32, #tpu.memory_space<vmem>>
    %dma_wait3A_10 = arith.constant 0 : i32
    %dma_wait3A_11 = arith.constant 0 : i32
    %dma_wait3A_12 = tpu.memref_slice %arg2[%dma_wait3A_10, %dma_wait3A_11] : memref<8192x256xf32, #tpu.memory_space<hbm>> -> memref<8192x256xf32, #tpu.memory_space<hbm>>
    tpu.wait_indirect_dma semaphore(%arg12 : memref<!tpu.dma_semaphore, #tpu.memory_space<semaphore_mem>>) src(%dma_wait3A_12 : memref<8192x256xf32, #tpu.memory_space<hbm>>) dst(%arg9 : memref<128x256xf32, #tpu.memory_space<vmem>>)
    %add3A_13 = arith.constant 0 : i32
    %add3A_14 = arith.addi %mul3A_2, %add3A_13 : i32
    "tpu.region"() ({
      %run_scoped3A = tpu.sem_alloc : memref<!tpu.dma_semaphore, #tpu.memory_space<semaphore_mem>>
      %dma_start3A_57 = arith.constant 0 : i32
      %dma_start3A_58 = tpu.memref_slice %arg6[%add3A_14, %dma_start3A_57] : memref<16384x256xf32, #tpu.memory_space<hbm>> -> memref<128x256xf32, #tpu.memory_space<hbm>>
      %dma_start3A_59 = arith.constant 0 : i32
      %dma_start3A_60 = tpu.memref_slice %arg6[%add3A_14, %dma_start3A_59] : memref<16384x256xf32, #tpu.memory_space<hbm>> -> memref<128x256xf32, #tpu.memory_space<hbm>>
      tpu.enqueue_dma source(%arg9 : memref<128x256xf32, #tpu.memory_space<vmem>>) target(%dma_start3A_60 : memref<128x256xf32, #tpu.memory_space<hbm>>) target_semaphore(%run_scoped3A : memref<!tpu.dma_semaphore, #tpu.memory_space<semaphore_mem>>)
      %dma_wait3A_61 = arith.constant 0 : i32
      %dma_wait3A_62 = tpu.memref_slice %arg6[%add3A_14, %dma_wait3A_61] : memref<16384x256xf32, #tpu.memory_space<hbm>> -> memref<128x256xf32, #tpu.memory_space<hbm>>
      %dma_wait3A_63 = arith.constant 0 : i32
      %dma_wait3A_64 = tpu.memref_slice %arg6[%add3A_14, %dma_wait3A_63] : memref<16384x256xf32, #tpu.memory_space<hbm>> -> memref<128x256xf32, #tpu.memory_space<hbm>>
      tpu.wait_dma2 semaphore(%run_scoped3A : memref<!tpu.dma_semaphore, #tpu.memory_space<semaphore_mem>>) src(%arg9 : memref<128x256xf32, #tpu.memory_space<vmem>>) dst(%dma_wait3A_64 : memref<128x256xf32, #tpu.memory_space<hbm>>)
      tpu.yield
    }) : () -> ()
    %dma_start3A_15 = arith.constant 128 : i32
    %dma_start3A_16 = tpu.memref_slice %arg8[%dma_start3A_15] : memref<512xi32, #tpu.memory_space<vmem>> -> memref<128xi32, #tpu.memory_space<vmem>>
    %dma_start3A_17 = arith.constant 0 : i32
    %dma_start3A_18 = arith.constant 0 : i32
    %dma_start3A_19 = tpu.memref_slice %arg2[%dma_start3A_17, %dma_start3A_18] : memref<8192x256xf32, #tpu.memory_space<hbm>> -> memref<8192x256xf32, #tpu.memory_space<hbm>>
    tpu.enqueue_indirect_dma source(%dma_start3A_19 : memref<8192x256xf32, #tpu.memory_space<hbm>>) target(%arg9 : memref<128x256xf32, #tpu.memory_space<vmem>>) offsets(%dma_start3A_16 : memref<128xi32, #tpu.memory_space<vmem>>) semaphore(%arg12 : memref<!tpu.dma_semaphore, #tpu.memory_space<semaphore_mem>>)
    %dma_wait3A_20 = arith.constant 128 : i32
    %dma_wait3A_21 = tpu.memref_slice %arg8[%dma_wait3A_20] : memref<512xi32, #tpu.memory_space<vmem>> -> memref<128xi32, #tpu.memory_space<vmem>>
    %dma_wait3A_22 = arith.constant 0 : i32
    %dma_wait3A_23 = arith.constant 0 : i32
    %dma_wait3A_24 = tpu.memref_slice %arg2[%dma_wait3A_22, %dma_wait3A_23] : memref<8192x256xf32, #tpu.memory_space<hbm>> -> memref<8192x256xf32, #tpu.memory_space<hbm>>
    tpu.wait_indirect_dma semaphore(%arg12 : memref<!tpu.dma_semaphore, #tpu.memory_space<semaphore_mem>>) src(%dma_wait3A_24 : memref<8192x256xf32, #tpu.memory_space<hbm>>) dst(%arg9 : memref<128x256xf32, #tpu.memory_space<vmem>>)
    %add3A_25 = arith.constant 128 : i32
    %add3A_26 = arith.addi %mul3A_2, %add3A_25 : i32
    "tpu.region"() ({
      %run_scoped3A = tpu.sem_alloc : memref<!tpu.dma_semaphore, #tpu.memory_space<semaphore_mem>>
      %dma_start3A_57 = arith.constant 0 : i32
      %dma_start3A_58 = tpu.memref_slice %arg6[%add3A_26, %dma_start3A_57] : memref<16384x256xf32, #tpu.memory_space<hbm>> -> memref<128x256xf32, #tpu.memory_space<hbm>>
      %dma_start3A_59 = arith.constant 0 : i32
      %dma_start3A_60 = tpu.memref_slice %arg6[%add3A_26, %dma_start3A_59] : memref<16384x256xf32, #tpu.memory_space<hbm>> -> memref<128x256xf32, #tpu.memory_space<hbm>>
      tpu.enqueue_dma source(%arg9 : memref<128x256xf32, #tpu.memory_space<vmem>>) target(%dma_start3A_60 : memref<128x256xf32, #tpu.memory_space<hbm>>) target_semaphore(%run_scoped3A : memref<!tpu.dma_semaphore, #tpu.memory_space<semaphore_mem>>)
      %dma_wait3A_61 = arith.constant 0 : i32
      %dma_wait3A_62 = tpu.memref_slice %arg6[%add3A_26, %dma_wait3A_61] : memref<16384x256xf32, #tpu.memory_space<hbm>> -> memref<128x256xf32, #tpu.memory_space<hbm>>
      %dma_wait3A_63 = arith.constant 0 : i32
      %dma_wait3A_64 = tpu.memref_slice %arg6[%add3A_26, %dma_wait3A_63] : memref<16384x256xf32, #tpu.memory_space<hbm>> -> memref<128x256xf32, #tpu.memory_space<hbm>>
      tpu.wait_dma2 semaphore(%run_scoped3A : memref<!tpu.dma_semaphore, #tpu.memory_space<semaphore_mem>>) src(%arg9 : memref<128x256xf32, #tpu.memory_space<vmem>>) dst(%dma_wait3A_64 : memref<128x256xf32, #tpu.memory_space<hbm>>)
      tpu.yield
    }) : () -> ()
    %dma_start3A_27 = arith.constant 256 : i32
    %dma_start3A_28 = tpu.memref_slice %arg8[%dma_start3A_27] : memref<512xi32, #tpu.memory_space<vmem>> -> memref<128xi32, #tpu.memory_space<vmem>>
    %dma_start3A_29 = arith.constant 0 : i32
    %dma_start3A_30 = arith.constant 0 : i32
    %dma_start3A_31 = tpu.memref_slice %arg2[%dma_start3A_29, %dma_start3A_30] : memref<8192x256xf32, #tpu.memory_space<hbm>> -> memref<8192x256xf32, #tpu.memory_space<hbm>>
    tpu.enqueue_indirect_dma source(%dma_start3A_31 : memref<8192x256xf32, #tpu.memory_space<hbm>>) target(%arg9 : memref<128x256xf32, #tpu.memory_space<vmem>>) offsets(%dma_start3A_28 : memref<128xi32, #tpu.memory_space<vmem>>) semaphore(%arg12 : memref<!tpu.dma_semaphore, #tpu.memory_space<semaphore_mem>>)
    %dma_wait3A_32 = arith.constant 256 : i32
    %dma_wait3A_33 = tpu.memref_slice %arg8[%dma_wait3A_32] : memref<512xi32, #tpu.memory_space<vmem>> -> memref<128xi32, #tpu.memory_space<vmem>>
    %dma_wait3A_34 = arith.constant 0 : i32
    %dma_wait3A_35 = arith.constant 0 : i32
    %dma_wait3A_36 = tpu.memref_slice %arg2[%dma_wait3A_34, %dma_wait3A_35] : memref<8192x256xf32, #tpu.memory_space<hbm>> -> memref<8192x256xf32, #tpu.memory_space<hbm>>
    tpu.wait_indirect_dma semaphore(%arg12 : memref<!tpu.dma_semaphore, #tpu.memory_space<semaphore_mem>>) src(%dma_wait3A_36 : memref<8192x256xf32, #tpu.memory_space<hbm>>) dst(%arg9 : memref<128x256xf32, #tpu.memory_space<vmem>>)
    %add3A_37 = arith.constant 256 : i32
    %add3A_38 = arith.addi %mul3A_2, %add3A_37 : i32
    "tpu.region"() ({
      %run_scoped3A = tpu.sem_alloc : memref<!tpu.dma_semaphore, #tpu.memory_space<semaphore_mem>>
      %dma_start3A_57 = arith.constant 0 : i32
      %dma_start3A_58 = tpu.memref_slice %arg6[%add3A_38, %dma_start3A_57] : memref<16384x256xf32, #tpu.memory_space<hbm>> -> memref<128x256xf32, #tpu.memory_space<hbm>>
      %dma_start3A_59 = arith.constant 0 : i32
      %dma_start3A_60 = tpu.memref_slice %arg6[%add3A_38, %dma_start3A_59] : memref<16384x256xf32, #tpu.memory_space<hbm>> -> memref<128x256xf32, #tpu.memory_space<hbm>>
      tpu.enqueue_dma source(%arg9 : memref<128x256xf32, #tpu.memory_space<vmem>>) target(%dma_start3A_60 : memref<128x256xf32, #tpu.memory_space<hbm>>) target_semaphore(%run_scoped3A : memref<!tpu.dma_semaphore, #tpu.memory_space<semaphore_mem>>)
      %dma_wait3A_61 = arith.constant 0 : i32
      %dma_wait3A_62 = tpu.memref_slice %arg6[%add3A_38, %dma_wait3A_61] : memref<16384x256xf32, #tpu.memory_space<hbm>> -> memref<128x256xf32, #tpu.memory_space<hbm>>
      %dma_wait3A_63 = arith.constant 0 : i32
      %dma_wait3A_64 = tpu.memref_slice %arg6[%add3A_38, %dma_wait3A_63] : memref<16384x256xf32, #tpu.memory_space<hbm>> -> memref<128x256xf32, #tpu.memory_space<hbm>>
      tpu.wait_dma2 semaphore(%run_scoped3A : memref<!tpu.dma_semaphore, #tpu.memory_space<semaphore_mem>>) src(%arg9 : memref<128x256xf32, #tpu.memory_space<vmem>>) dst(%dma_wait3A_64 : memref<128x256xf32, #tpu.memory_space<hbm>>)
      tpu.yield
    }) : () -> ()
    %dma_start3A_39 = arith.constant 384 : i32
    %dma_start3A_40 = tpu.memref_slice %arg8[%dma_start3A_39] : memref<512xi32, #tpu.memory_space<vmem>> -> memref<128xi32, #tpu.memory_space<vmem>>
    %dma_start3A_41 = arith.constant 0 : i32
    %dma_start3A_42 = arith.constant 0 : i32
    %dma_start3A_43 = tpu.memref_slice %arg2[%dma_start3A_41, %dma_start3A_42] : memref<8192x256xf32, #tpu.memory_space<hbm>> -> memref<8192x256xf32, #tpu.memory_space<hbm>>
    tpu.enqueue_indirect_dma source(%dma_start3A_43 : memref<8192x256xf32, #tpu.memory_space<hbm>>) target(%arg9 : memref<128x256xf32, #tpu.memory_space<vmem>>) offsets(%dma_start3A_40 : memref<128xi32, #tpu.memory_space<vmem>>) semaphore(%arg12 : memref<!tpu.dma_semaphore, #tpu.memory_space<semaphore_mem>>)
    %dma_wait3A_44 = arith.constant 384 : i32
    %dma_wait3A_45 = tpu.memref_slice %arg8[%dma_wait3A_44] : memref<512xi32, #tpu.memory_space<vmem>> -> memref<128xi32, #tpu.memory_space<vmem>>
    %dma_wait3A_46 = arith.constant 0 : i32
    %dma_wait3A_47 = arith.constant 0 : i32
    %dma_wait3A_48 = tpu.memref_slice %arg2[%dma_wait3A_46, %dma_wait3A_47] : memref<8192x256xf32, #tpu.memory_space<hbm>> -> memref<8192x256xf32, #tpu.memory_space<hbm>>
    tpu.wait_indirect_dma semaphore(%arg12 : memref<!tpu.dma_semaphore, #tpu.memory_space<semaphore_mem>>) src(%dma_wait3A_48 : memref<8192x256xf32, #tpu.memory_space<hbm>>) dst(%arg9 : memref<128x256xf32, #tpu.memory_space<vmem>>)
    %add3A_49 = arith.constant 384 : i32
    %add3A_50 = arith.addi %mul3A_2, %add3A_49 : i32
    "tpu.region"() ({
      %run_scoped3A = tpu.sem_alloc : memref<!tpu.dma_semaphore, #tpu.memory_space<semaphore_mem>>
      %dma_start3A_57 = arith.constant 0 : i32
      %dma_start3A_58 = tpu.memref_slice %arg6[%add3A_50, %dma_start3A_57] : memref<16384x256xf32, #tpu.memory_space<hbm>> -> memref<128x256xf32, #tpu.memory_space<hbm>>
      %dma_start3A_59 = arith.constant 0 : i32
      %dma_start3A_60 = tpu.memref_slice %arg6[%add3A_50, %dma_start3A_59] : memref<16384x256xf32, #tpu.memory_space<hbm>> -> memref<128x256xf32, #tpu.memory_space<hbm>>
      tpu.enqueue_dma source(%arg9 : memref<128x256xf32, #tpu.memory_space<vmem>>) target(%dma_start3A_60 : memref<128x256xf32, #tpu.memory_space<hbm>>) target_semaphore(%run_scoped3A : memref<!tpu.dma_semaphore, #tpu.memory_space<semaphore_mem>>)
      %dma_wait3A_61 = arith.constant 0 : i32
      %dma_wait3A_62 = tpu.memref_slice %arg6[%add3A_50, %dma_wait3A_61] : memref<16384x256xf32, #tpu.memory_space<hbm>> -> memref<128x256xf32, #tpu.memory_space<hbm>>
      %dma_wait3A_63 = arith.constant 0 : i32
      %dma_wait3A_64 = tpu.memref_slice %arg6[%add3A_50, %dma_wait3A_63] : memref<16384x256xf32, #tpu.memory_space<hbm>> -> memref<128x256xf32, #tpu.memory_space<hbm>>
      tpu.wait_dma2 semaphore(%run_scoped3A : memref<!tpu.dma_semaphore, #tpu.memory_space<semaphore_mem>>) src(%arg9 : memref<128x256xf32, #tpu.memory_space<vmem>>) dst(%dma_wait3A_64 : memref<128x256xf32, #tpu.memory_space<hbm>>)
      tpu.yield
    }) : () -> ()
    %barrier3A_51 = arith.constant 0 : index
    tpu.barrier barrier_id(%barrier3A_51)
    %eq3A_52 = arith.constant 0 : i32
    %eq3A_53 = arith.cmpi eq, %arg1, %eq3A_52 : i32
    %convert_element_type3A_54 = arith.extui %eq3A_53 : i1 to i32
    %cond3A_55 = arith.constant 0 : i32
    %cond3A_56 = arith.cmpi ne, %convert_element_type3A_54, %cond3A_55 : i32
    scf.if %cond3A_56 {
      "tpu.region"() ({
        %run_scoped3A = tpu.sem_alloc : memref<!tpu.dma_semaphore, #tpu.memory_space<semaphore_mem>>
        %dma_start3A_57 = arith.constant 0 : i32
        %dma_start3A_58 = tpu.memref_slice %arg7[%arg0, %dma_start3A_57] : memref<2x8192xf32, #tpu.memory_space<hbm>> -> memref<1x8192xf32, #tpu.memory_space<hbm>>
        %dma_start3A_59 = tpu.memref_squeeze %dma_start3A_58 : memref<1x8192xf32, #tpu.memory_space<hbm>> -> memref<8192xf32, #tpu.memory_space<hbm>>
        tpu.enqueue_dma source(%arg11 : memref<8192xf32, #tpu.memory_space<vmem_shared>>) target(%dma_start3A_59 : memref<8192xf32, #tpu.memory_space<hbm>>) target_semaphore(%run_scoped3A : memref<!tpu.dma_semaphore, #tpu.memory_space<semaphore_mem>>)
        %dma_wait3A_60 = arith.constant 0 : i32
        %dma_wait3A_61 = tpu.memref_slice %arg7[%arg0, %dma_wait3A_60] : memref<2x8192xf32, #tpu.memory_space<hbm>> -> memref<1x8192xf32, #tpu.memory_space<hbm>>
        %dma_wait3A_62 = tpu.memref_squeeze %dma_wait3A_61 : memref<1x8192xf32, #tpu.memory_space<hbm>> -> memref<8192xf32, #tpu.memory_space<hbm>>
        tpu.wait_dma2 semaphore(%run_scoped3A : memref<!tpu.dma_semaphore, #tpu.memory_space<semaphore_mem>>) src(%arg11 : memref<8192xf32, #tpu.memory_space<vmem_shared>>) dst(%dma_wait3A_62 : memref<8192xf32, #tpu.memory_space<hbm>>)
        tpu.yield
      }) : () -> ()
    } else {
    }
    return
  }
}

module attributes {stable_mosaic.version = 14 : i64} {
  func.func @body(%arg0: memref<2x8192xf32, #tpu.memory_space<vmem>>, %arg1: memref<1x1xf32, #tpu.memory_space<vmem>>) attributes {dimension_semantics = [], scalar_prefetch = 0 : i64, scratch_operands = 0 : i64, tpu.core_type = #tpu.core_type<tc>} {
    %get3A = arith.constant 0 : index
    %get3A_0 = arith.constant 0 : index
    %get3A_1 = vector.load %arg0[%get3A, %get3A_0] : memref<2x8192xf32, #tpu.memory_space<vmem>>, vector<1x8192xf32>
    %get3A_2 = arith.constant 1 : index
    %get3A_3 = arith.constant 0 : index
    %get3A_4 = vector.load %arg0[%get3A_2, %get3A_3] : memref<2x8192xf32, #tpu.memory_space<vmem>>, vector<1x8192xf32>
    %add3A = arith.addf %get3A_1, %get3A_4 : vector<1x8192xf32>
    %reduce_sum3A = vector.shape_cast %add3A : vector<1x8192xf32> to vector<1x1x8192xf32>
    %reduce_sum3A_5 = arith.constant dense<0.000000e+00> : vector<1xf32>
    %reduce_sum3A_6 = vector.multi_reduction <add>, %reduce_sum3A, %reduce_sum3A_5 [1, 2] : vector<1x1x8192xf32> to vector<1xf32>
    %reduce_sum3A_7 = vector.shape_cast %reduce_sum3A_6 : vector<1xf32> to vector<1x1x1xf32>
    %reduce_sum3A_8 = vector.extract %reduce_sum3A_7[0, 0, 0] : f32 from vector<1x1x1xf32>
    %max3A = arith.constant 1.000000e+00 : f32
    %max3A_9 = arith.maximumf %reduce_sum3A_8, %max3A : f32
    %div3A = vector.broadcast %max3A_9 : f32 to vector<1x8192xf32>
    %div3A_10 = arith.divf %add3A, %div3A : vector<1x8192xf32>
    %gt3A = arith.constant 0.000000e+00 : f32
    %gt3A_11 = vector.broadcast %gt3A : f32 to vector<1x8192xf32>
    %gt3A_12 = arith.cmpf ogt, %div3A_10, %gt3A_11 : vector<1x8192xf32>
    %jit3A = arith.constant 1.000000e+00 : f32
    %broadcast_in_dim3A = vector.broadcast %jit3A : f32 to vector<1x8192xf32>
    %select_n3A = arith.select %gt3A_12, %div3A_10, %broadcast_in_dim3A : vector<1x8192xi1>, vector<1x8192xf32>
    %gt3A_13 = arith.constant 0.000000e+00 : f32
    %gt3A_14 = vector.broadcast %gt3A_13 : f32 to vector<1x8192xf32>
    %gt3A_15 = arith.cmpf ogt, %div3A_10, %gt3A_14 : vector<1x8192xf32>
    %log3A = math.log %select_n3A : vector<1x8192xf32>
    %mul3A = arith.mulf %div3A_10, %log3A : vector<1x8192xf32>
    %jit3A_16 = arith.constant 0.000000e+00 : f32
    %broadcast_in_dim3A_17 = vector.broadcast %jit3A_16 : f32 to vector<1x8192xf32>
    %select_n3A_18 = arith.select %gt3A_15, %mul3A, %broadcast_in_dim3A_17 : vector<1x8192xi1>, vector<1x8192xf32>
    %reduce_sum3A_19 = vector.shape_cast %select_n3A_18 : vector<1x8192xf32> to vector<1x1x8192xf32>
    %reduce_sum3A_20 = arith.constant dense<0.000000e+00> : vector<1xf32>
    %reduce_sum3A_21 = vector.multi_reduction <add>, %reduce_sum3A_19, %reduce_sum3A_20 [1, 2] : vector<1x1x8192xf32> to vector<1xf32>
    %reduce_sum3A_22 = vector.shape_cast %reduce_sum3A_21 : vector<1xf32> to vector<1x1x1xf32>
    %reduce_sum3A_23 = vector.extract %reduce_sum3A_22[0, 0, 0] : f32 from vector<1x1x1xf32>
    %neg3A = arith.constant 0.000000e+00 : f32
    %neg3A_24 = arith.subf %neg3A, %reduce_sum3A_23 : f32
    %exp3A = math.exp %neg3A_24 : f32
    %broadcast_in_dim3A_25 = vector.broadcast %exp3A : f32 to vector<1x1xf32>
    %swap3A = arith.constant 0 : index
    %swap3A_26 = arith.constant 0 : index
    %swap3A_27 = vector.load %arg1[%swap3A, %swap3A_26] : memref<1x1xf32, #tpu.memory_space<vmem>>, vector<1x1xf32>
    tpu.vector_store %arg1[%swap3A, %swap3A_26], %broadcast_in_dim3A_25 {strides = array<i32>} : memref<1x1xf32, #tpu.memory_space<vmem>>, vector<1x1xf32>,
    return
  }
}

module attributes {stable_mosaic.version = 14 : i64} {
  func.func @body(%arg0: i32, %arg1: i32, %arg2: memref<1024x256xf32, #tpu.memory_space<vmem>>, %arg3: memref<1024x256xf32, #tpu.memory_space<vmem>>, %arg4: memref<1024xi32, #tpu.memory_space<vmem>>, %arg5: memref<1x1xf32, #tpu.memory_space<vmem>>, %arg6: memref<1024xf32, #tpu.memory_space<vmem>>, %arg7: memref<1024xf32, #tpu.memory_space<vmem>>) attributes {dimension_semantics = [#tpu.dimension_semantics<arbitrary>, #tpu.dimension_semantics<arbitrary>], iteration_bounds = array<i64: 16, 8>, scalar_prefetch = 0 : i64, scratch_operands = 2 : i64, tpu.core_type = #tpu.core_type<tc>, window_params = [{transform_indices = @transform_0, window_bounds = array<i64: 1024, 256>}, {transform_indices = @transform_1, window_bounds = array<i64: 1024, 256>}, {transform_indices = @transform_2, window_bounds = array<i64: 1024>}, {pipeline_mode = #tpu.pipeline_mode<synchronous>, transform_indices = @transform_3, window_bounds = array<i64: 1, 1>}]} {
    %get3A = arith.constant 0 : index
    %get3A_0 = arith.constant 0 : index
    %get3A_1 = vector.load %arg2[%get3A, %get3A_0] : memref<1024x256xf32, #tpu.memory_space<vmem>>, vector<1024x256xf32>
    %get3A_2 = arith.constant 0 : index
    %get3A_3 = arith.constant 0 : index
    %get3A_4 = vector.load %arg3[%get3A_2, %get3A_3] : memref<1024x256xf32, #tpu.memory_space<vmem>>, vector<1024x256xf32>
    %mul3A = arith.mulf %get3A_1, %get3A_1 : vector<1024x256xf32>
    %reduce_sum3A = arith.constant dense<0.000000e+00> : vector<1024xf32>
    %reduce_sum3A_5 = vector.multi_reduction <add>, %mul3A, %reduce_sum3A [1] : vector<1024x256xf32> to vector<1024xf32>
    %broadcast_in_dim3A = vector.shape_cast %reduce_sum3A_5 : vector<1024xf32> to vector<1024x1xf32>
    %mul3A_6 = arith.mulf %get3A_4, %get3A_4 : vector<1024x256xf32>
    %reduce_sum3A_7 = arith.constant dense<0.000000e+00> : vector<1024xf32>
    %reduce_sum3A_8 = vector.multi_reduction <add>, %mul3A_6, %reduce_sum3A_7 [1] : vector<1024x256xf32> to vector<1024xf32>
    %broadcast_in_dim3A_9 = vector.shape_cast %reduce_sum3A_8 : vector<1024xf32> to vector<1x1024xf32>
    %bitcast_convert_type3A = tpu.bitcast %get3A_1 : vector<1024x256xf32> -> vector<1024x256xi32>
    %add3A = arith.constant 32767 : i32
    %add3A_10 = vector.broadcast %add3A : i32 to vector<1024x256xi32>
    %add3A_11 = arith.addi %bitcast_convert_type3A, %add3A_10 : vector<1024x256xi32>
    %shift_right_logical3A = arith.constant 16 : i32
    %shift_right_logical3A_12 = vector.broadcast %shift_right_logical3A : i32 to vector<1024x256xi32>
    %shift_right_logical3A_13 = arith.shrui %bitcast_convert_type3A, %shift_right_logical3A_12 : vector<1024x256xi32>
    %and3A = arith.constant 1 : i32
    %and3A_14 = vector.broadcast %and3A : i32 to vector<1024x256xi32>
    %and3A_15 = arith.andi %shift_right_logical3A_13, %and3A_14 : vector<1024x256xi32>
    %add3A_16 = arith.addi %add3A_11, %and3A_15 : vector<1024x256xi32>
    %and3A_17 = arith.constant -65536 : i32
    %and3A_18 = vector.broadcast %and3A_17 : i32 to vector<1024x256xi32>
    %and3A_19 = arith.andi %add3A_16, %and3A_18 : vector<1024x256xi32>
    %bitcast_convert_type3A_20 = tpu.bitcast %and3A_19 : vector<1024x256xi32> -> vector<1024x256xf32>
    %bitcast_convert_type3A_21 = tpu.bitcast %get3A_4 : vector<1024x256xf32> -> vector<1024x256xi32>
    %add3A_22 = arith.constant 32767 : i32
    %add3A_23 = vector.broadcast %add3A_22 : i32 to vector<1024x256xi32>
    %add3A_24 = arith.addi %bitcast_convert_type3A_21, %add3A_23 : vector<1024x256xi32>
    %shift_right_logical3A_25 = arith.constant 16 : i32
    %shift_right_logical3A_26 = vector.broadcast %shift_right_logical3A_25 : i32 to vector<1024x256xi32>
    %shift_right_logical3A_27 = arith.shrui %bitcast_convert_type3A_21, %shift_right_logical3A_26 : vector<1024x256xi32>
    %and3A_28 = arith.constant 1 : i32
    %and3A_29 = vector.broadcast %and3A_28 : i32 to vector<1024x256xi32>
    %and3A_30 = arith.andi %shift_right_logical3A_27, %and3A_29 : vector<1024x256xi32>
    %add3A_31 = arith.addi %add3A_24, %and3A_30 : vector<1024x256xi32>
    %and3A_32 = arith.constant -65536 : i32
    %and3A_33 = vector.broadcast %and3A_32 : i32 to vector<1024x256xi32>
    %and3A_34 = arith.andi %add3A_31, %and3A_33 : vector<1024x256xi32>
    %bitcast_convert_type3A_35 = tpu.bitcast %and3A_34 : vector<1024x256xi32> -> vector<1024x256xf32>
    %dot_general3A = arith.constant dense<0.000000e+00> : vector<1024x1024xf32>
    %dot_general3A_36 = tpu.matmul %bitcast_convert_type3A_20, %bitcast_convert_type3A_35, %dot_general3A {dimension_numbers = #tpu.dot_dimension_numbers<[1], [1], [0], [0], [0, 0, 1, 0], [], []>, transpose_lhs_hint = false} : vector<1024x256xf32>, vector<1024x256xf32>, vector<1024x1024xf32> -> vector<1024x1024xf32>
    %mul3A_37 = arith.constant 2.000000e+00 : f32
    %mul3A_38 = vector.broadcast %mul3A_37 : f32 to vector<1024x1024xf32>
    %mul3A_39 = arith.mulf %mul3A_38, %dot_general3A_36 : vector<1024x1024xf32>
    %sub3A = vector.broadcast %broadcast_in_dim3A : vector<1024x1xf32> to vector<1024x1024xf32>
    %sub3A_40 = arith.subf %sub3A, %mul3A_39 : vector<1024x1024xf32>
    %add3A_41 = vector.broadcast %broadcast_in_dim3A_9 : vector<1x1024xf32> to vector<1024x1024xf32>
    %add3A_42 = arith.addf %sub3A_40, %add3A_41 : vector<1024x1024xf32>
    %reduce_min3A = arith.constant dense<0x7F800000> : vector<1024xf32>
    %reduce_min3A_43 = vector.multi_reduction <minimumf>, %add3A_42, %reduce_min3A [1] : vector<1024x1024xf32> to vector<1024xf32>
    %iota3A = tpu.iota {dimensions = array<i32: 1>} : vector<1024x1024xi32>
    %broadcast_in_dim3A_44 = vector.shape_cast %reduce_min3A_43 : vector<1024xf32> to vector<1024x1xf32>
    %eq3A = vector.broadcast %broadcast_in_dim3A_44 : vector<1024x1xf32> to vector<1024x1024xf32>
    %eq3A_45 = arith.cmpf oeq, %add3A_42, %eq3A : vector<1024x1024xf32>
    %jit3A = arith.constant 8192 : i32
    %broadcast_in_dim3A_46 = vector.broadcast %jit3A : i32 to vector<1024x1024xi32>
    %select_n3A = arith.select %eq3A_45, %iota3A, %broadcast_in_dim3A_46 : vector<1024x1024xi1>, vector<1024x1024xi32>
    %reduce_min3A_47 = arith.constant dense<2147483647> : vector<1024xi32>
    %reduce_min3A_48 = vector.multi_reduction <minsi>, %select_n3A, %reduce_min3A_47 [1] : vector<1024x1024xi32> to vector<1024xi32>
    %mul3A_49 = arith.constant 1024 : i32
    %mul3A_50 = arith.muli %arg1, %mul3A_49 : i32
    %add3A_51 = vector.broadcast %mul3A_50 : i32 to vector<1024xi32>
    %add3A_52 = arith.addi %reduce_min3A_48, %add3A_51 : vector<1024xi32>
    %eq3A_53 = arith.constant 0 : i32
    %eq3A_54 = arith.cmpi eq, %arg1, %eq3A_53 : i32
    %convert_element_type3A = arith.extui %eq3A_54 : i1 to i32
    %cond3A = arith.constant 0 : i32
    %cond3A_55 = arith.cmpi ne, %convert_element_type3A, %cond3A : i32
    scf.if %cond3A_55 {
      %convert_element_type3A_65 = arith.truncf %reduce_min3A_43 : vector<1024xf32> to vector<1024xbf16>
      %convert_element_type3A_66 = arith.extf %convert_element_type3A_65 : vector<1024xbf16> to vector<1024xf32>
      %swap3A = arith.constant 0 : index
      %swap3A_67 = vector.load %arg6[%swap3A] : memref<1024xf32, #tpu.memory_space<vmem>>, vector<1024xf32>
      tpu.vector_store %arg6[%swap3A], %convert_element_type3A_66 {strides = array<i32>} : memref<1024xf32, #tpu.memory_space<vmem>>, vector<1024xf32>,
      %swap3A_68 = arith.constant 0 : index
      %swap3A_69 = vector.load %arg7[%swap3A_68] : memref<1024xf32, #tpu.memory_space<vmem>>, vector<1024xf32>
      tpu.vector_store %arg7[%swap3A_68], %reduce_min3A_43 {strides = array<i32>} : memref<1024xf32, #tpu.memory_space<vmem>>, vector<1024xf32>,
      %swap3A_70 = arith.constant 0 : index
      %swap3A_71 = vector.load %arg4[%swap3A_70] : memref<1024xi32, #tpu.memory_space<vmem>>, vector<1024xi32>
      tpu.vector_store %arg4[%swap3A_70], %add3A_52 {strides = array<i32>} : memref<1024xi32, #tpu.memory_space<vmem>>, vector<1024xi32>,
    } else {
    }
    %ne3A = arith.constant 0 : i32
    %ne3A_56 = arith.cmpi ne, %arg1, %ne3A : i32
    %convert_element_type3A_57 = arith.extui %ne3A_56 : i1 to i32
    %cond3A_58 = arith.constant 0 : i32
    %cond3A_59 = arith.cmpi ne, %convert_element_type3A_57, %cond3A_58 : i32
    scf.if %cond3A_59 {
      %get3A_65 = arith.constant 0 : index
      %get3A_66 = vector.load %arg6[%get3A_65] : memref<1024xf32, #tpu.memory_space<vmem>>, vector<1024xf32>
      %lt3A = arith.cmpf olt, %reduce_min3A_43, %get3A_66 : vector<1024xf32>
      %get3A_67 = arith.constant 0 : index
      %get3A_68 = vector.load %arg6[%get3A_67] : memref<1024xf32, #tpu.memory_space<vmem>>, vector<1024xf32>
      %select_n3A_69 = arith.select %lt3A, %reduce_min3A_43, %get3A_68 : vector<1024xi1>, vector<1024xf32>
      %convert_element_type3A_70 = arith.truncf %select_n3A_69 : vector<1024xf32> to vector<1024xbf16>
      %convert_element_type3A_71 = arith.extf %convert_element_type3A_70 : vector<1024xbf16> to vector<1024xf32>
      %swap3A = arith.constant 0 : index
      %swap3A_72 = vector.load %arg6[%swap3A] : memref<1024xf32, #tpu.memory_space<vmem>>, vector<1024xf32>
      tpu.vector_store %arg6[%swap3A], %convert_element_type3A_71 {strides = array<i32>} : memref<1024xf32, #tpu.memory_space<vmem>>, vector<1024xf32>,
      %get3A_73 = arith.constant 0 : index
      %get3A_74 = vector.load %arg7[%get3A_73] : memref<1024xf32, #tpu.memory_space<vmem>>, vector<1024xf32>
      %select_n3A_75 = arith.select %lt3A, %reduce_min3A_43, %get3A_74 : vector<1024xi1>, vector<1024xf32>
      %swap3A_76 = arith.constant 0 : index
      %swap3A_77 = vector.load %arg7[%swap3A_76] : memref<1024xf32, #tpu.memory_space<vmem>>, vector<1024xf32>
      tpu.vector_store %arg7[%swap3A_76], %select_n3A_75 {strides = array<i32>} : memref<1024xf32, #tpu.memory_space<vmem>>, vector<1024xf32>,
      %get3A_78 = arith.constant 0 : index
      %get3A_79 = vector.load %arg4[%get3A_78] : memref<1024xi32, #tpu.memory_space<vmem>>, vector<1024xi32>
      %select_n3A_80 = arith.select %lt3A, %add3A_52, %get3A_79 : vector<1024xi1>, vector<1024xi32>
      %swap3A_81 = arith.constant 0 : index
      %swap3A_82 = vector.load %arg4[%swap3A_81] : memref<1024xi32, #tpu.memory_space<vmem>>, vector<1024xi32>
      tpu.vector_store %arg4[%swap3A_81], %select_n3A_80 {strides = array<i32>} : memref<1024xi32, #tpu.memory_space<vmem>>, vector<1024xi32>,
    } else {
    }
    %eq3A_60 = arith.constant 7 : i32
    %eq3A_61 = arith.cmpi eq, %arg1, %eq3A_60 : i32
    %convert_element_type3A_62 = arith.extui %eq3A_61 : i1 to i32
    %cond3A_63 = arith.constant 0 : i32
    %cond3A_64 = arith.cmpi ne, %convert_element_type3A_62, %cond3A_63 : i32
    scf.if %cond3A_64 {
      %eq3A_65 = arith.constant 0 : i32
      %eq3A_66 = arith.cmpi eq, %arg0, %eq3A_65 : i32
      %convert_element_type3A_67 = arith.extui %eq3A_66 : i1 to i32
      %cond3A_68 = arith.constant 0 : i32
      %cond3A_69 = arith.cmpi ne, %convert_element_type3A_67, %cond3A_68 : i32
      scf.if %cond3A_69 {
        %broadcast_in_dim3A_84 = arith.constant 0.000000e+00 : f32
        %broadcast_in_dim3A_85 = vector.broadcast %broadcast_in_dim3A_84 : f32 to vector<1x1xf32>
        %swap3A_86 = arith.constant 0 : index
        %swap3A_87 = arith.constant 0 : index
        %swap3A_88 = vector.load %arg5[%swap3A_86, %swap3A_87] : memref<1x1xf32, #tpu.memory_space<vmem>>, vector<1x1xf32>
        tpu.vector_store %arg5[%swap3A_86, %swap3A_87], %broadcast_in_dim3A_85 {strides = array<i32>} : memref<1x1xf32, #tpu.memory_space<vmem>>, vector<1x1xf32>,
      } else {
      }
      %get3A_70 = arith.constant 0 : index
      %get3A_71 = arith.constant 0 : index
      %get3A_72 = vector.load %arg5[%get3A_70, %get3A_71] : memref<1x1xf32, #tpu.memory_space<vmem>>, vector<1x1xf32>
      %get3A_73 = arith.constant 0 : index
      %get3A_74 = vector.load %arg7[%get3A_73] : memref<1024xf32, #tpu.memory_space<vmem>>, vector<1024xf32>
      %reduce_sum3A_75 = vector.shape_cast %get3A_74 : vector<1024xf32> to vector<1x1024xf32>
      %reduce_sum3A_76 = arith.constant dense<0.000000e+00> : vector<1xf32>
      %reduce_sum3A_77 = vector.multi_reduction <add>, %reduce_sum3A_75, %reduce_sum3A_76 [1] : vector<1x1024xf32> to vector<1xf32>
      %reduce_sum3A_78 = vector.shape_cast %reduce_sum3A_77 : vector<1xf32> to vector<1x1xf32>
      %reduce_sum3A_79 = vector.extract %reduce_sum3A_78[0, 0] : f32 from vector<1x1xf32>
      %broadcast_in_dim3A_80 = vector.broadcast %reduce_sum3A_79 : f32 to vector<1x1xf32>
      %add3A_81 = arith.addf %get3A_72, %broadcast_in_dim3A_80 : vector<1x1xf32>
      %swap3A = arith.constant 0 : index
      %swap3A_82 = arith.constant 0 : index
      %swap3A_83 = vector.load %arg5[%swap3A, %swap3A_82] : memref<1x1xf32, #tpu.memory_space<vmem>>, vector<1x1xf32>
      tpu.vector_store %arg5[%swap3A, %swap3A_82], %add3A_81 {strides = array<i32>} : memref<1x1xf32, #tpu.memory_space<vmem>>, vector<1x1xf32>,
    } else {
    }
    return
  }
  func.func @transform_0(%arg0: i32, %arg1: i32) -> (i32, i32) {
    %c0_i32 = arith.constant 0 : i32
    %c0_i32_0 = arith.constant 0 : i32
    return %arg0, %c0_i32 : i32, i32
  }
  func.func @transform_1(%arg0: i32, %arg1: i32) -> (i32, i32) {
    %c0_i32 = arith.constant 0 : i32
    %c0_i32_0 = arith.constant 0 : i32
    return %arg1, %c0_i32 : i32, i32
  }
  func.func @transform_2(%arg0: i32, %arg1: i32) -> i32 {
    %c0_i32 = arith.constant 0 : i32
    return %arg0 : i32
  }
  func.func @transform_3(%arg0: i32, %arg1: i32) -> (i32, i32) {
    %c0_i32 = arith.constant 0 : i32
    %c0_i32_0 = arith.constant 0 : i32
    %c0_i32_1 = arith.constant 0 : i32
    return %c0_i32, %c0_i32_0 : i32, i32
  }
}

</mosaic_0001>

<sc_bundles>
// kernel: kernel.5.cloned.1.call-start
scs
__scs_entry_jumppad:
0x0: {  	(pc) =	sbr.rel $0x88, $3  }
0x1: {  	(tag) =	ssettag $0x0;
	lr =	simm.s32 $0x1  }
0x2: {  	[smem:$0x3F9F] =	sst lr;
	_ =	strace $0xD0000000  }
0x3: {  	_ = 	snop  }
0x4: {  	_ = 	snop  }
0x5: {  	_ = 	snop  }
0x6: {  	_ = 	snop  }
0x7: {  	_ = 	snop  }
__scs_overlays_trampoline_lowered:
0x8: {  	[smem:$0x3FAE] =	sst s0  }
0x9: {  	[smem:$0x3FAF] =	sst s1  }
0xa: {  	[smem:$0x3FB0] =	sst s2  }
0xb: {  	[smem:$0x3FB1] =	sst s3  }
0xc: {  	[smem:$0x3FB2] =	sst s4  }
0xd: {  	[smem:$0x3FB3] =	sst s5  }
0xe: {  	[smem:$0x3FB4] =	sst s6  }
0xf: {  	[smem:$0x3FB5] =	sst s7  }
0x10: {  	[smem:$0x3FB6] =	sst s8  }
0x11: {  	[smem:$0x3FB7] =	sst s9;
	s0 =	simm.s32 @!p0 $0x0  }
0x12: {  	s1 =	sld [smem:$0x3F9D];
	s0 =	simm.s32 @p0 $0x1  }
0x13: {  	[smem:$0x3FB8] =	sst s0;
	s0 =	simm.s32 @!p1 $0x0  }
0x14: {  	s2 =	sld [smem:$0x3F9C];
	s0 =	simm.s32 @p1 $0x1  }
0x15: {  	[smem:$0x3FB9] =	sst s0;
	s0 =	simm.s32 @!p2 $0x0  }
0x16: {  	s3 =	sld [smem:$0x3FDB];
	s0 =	simm.s32 @p2 $0x1  }
0x17: {  	s4 =	simm.s32 $0x1BF5;
	[smem:$0x3FBB] =	sst s0  }
0x18: {  	s0 =	sld [smem:$0x3F9E];
	_ =	swait.ge [sflag:s4], $0x0  }
0x19: {  	s7 =	sld [smem:$0x3F9F]  }
0x1a: {  	s8 =	sadd.s32 $0xFFFFE003, lr  }
0x1b: {  	s9 =	sadd.s32 $0xFFFFFEF7, lr;
	s5 =	simm.s32 $0xFFFFFFFF;
	p2 =	slt.u32 s8, $0xFFFFF086  }
0x1c: {  	p1 =	slt.u32 s9, $0xF7A;
	s5 =	simm.s32 @!p2 $0x0  }
0x1d: {  	s5 =	simm.s32 @p1 $0x1;
	p0 =	seq.s32 s7, s2  }
0x1e: {  	s7 =	smul.u32 @!p0 $0xF7A, s2;
	p2 =	seq.s32 @!p0 s5, $0x0  }
0x1f: {  	s9 =	smul.u32 $0xF7A, s1;
	s8 =	simm.s32 @!p0 $0x1BF5;
	p2 =	por !p2, p0  }
0x20: {  	[sflag:s8] =	ssyncset.s32 @!p0 $0xFFFFF086;
	s6 =	sadd.s32 @!p0 s3, s7;
	s7 =	simm.s32 @!p0 $0x108  }
0x21: {  	s3 =	sadd.s32 s3, s9;
	s6 =	sadd.s32 @!p0 $0x88, s6;
	s7 =	simm.s32 @p2 $0x1082  }
0x22: {  	[simem:s7], [sflag:s8] =	dma.local @!p0 [hbm:s6], $0xF7A  }
0x23: {  	s9 =	sor.u32 $0xD0000000, s2;
	s6 =	simm.s32 $0x108;
	_ =	swait.ge @!p0 [sflag:s8], $0x0  }
0x24: {  	s3 =	sadd.s32 $0x88, s3;
	s6 =	simm.s32 @!p1 $0x1082;
	[sflag:s4] =	ssyncset.s32 $0xFFFFF086  }
0x25: {  	[simem:s6], [sflag:s4] =	dma.local [hbm:s3], $0xF7A  }
0x26: {  	[smem:$0x3F9F] =	sst s1;
	(tag) =	ssettag s2;
	_ =	strace s9  }
0x27: {  	s1 =	sld [smem:$0x3FAF]  }
0x28: {  	s2 =	sld [smem:$0x3FB0]  }
0x29: {  	s4 =	sld [smem:$0x3FB2]  }
0x2a: {  	p0 =	seq.s32 s5, $0x0;
	s5 =	sld [smem:$0x3FB3]  }
0x2b: {  	s6 =	sld [smem:$0x3FB4]  }
0x2c: {  	s7 =	sld [smem:$0x3FB5]  }
0x2d: {  	s3 =	simm.s32 $0x108;
	s8 =	sld [smem:$0x3FB6]  }
0x2e: {  	s3 =	simm.s32 @!p0 $0x1082;
	s9 =	sld [smem:$0x3FB7]  }
0x2f: {  	lr =	sadd.s32 s0, s3;
	s0 =	sld [smem:$0x3FAE]  }
0x30: {  	s3 =	sld [smem:$0x3FB1]  }
0x31: {  	[smem:$0x3FBA] =	sst s10  }
0x32: {  	s10 =	sld [smem:$0x3FB8];
	_ =	sdelay $0x3  }
0x33: {  	p0 =	seq.s32 s10, $0x1;
	s10 =	sld [smem:$0x3FBA];
	_ =	sdelay $0x3  }
0x34: {  	[smem:$0x3FBA] =	sst s10  }
0x35: {  	s10 =	sld [smem:$0x3FB9];
	_ =	sdelay $0x3  }
0x36: {  	p1 =	seq.s32 s10, $0x1;
	s10 =	sld [smem:$0x3FBA];
	_ =	sdelay $0x3  }
0x37: {  	[smem:$0x3FBA] =	sst s10  }
0x38: {  	s10 =	sld [smem:$0x3FBB]  }
0x39: {  	_ = 	snop;
	(pc) =	sbr.ind lr, $3  }
0x3a: {  	_ = 	snop  }
0x3b: {  	_ = 	snop  }
0x3c: {  	p2 =	seq.s32 s10, $0x1;
	s10 =	sld [smem:$0x3FBA]  }
0x3d: {  	_ =	shalt  }
0x3e: {  	_ =	shalt  }
0x3f: {  	_ =	shalt  }
0x40: {  	_ =	shalt  }
0x41: {  	_ =	shalt  }
0x42: {  	_ =	shalt  }
0x43: {  	_ =	shalt  }
0x44: {  	_ =	shalt  }
0x45: {  	_ =	shalt  }
0x46: {  	_ =	shalt  }
0x47: {  	_ =	shalt  }
0x48: {  	_ =	shalt  }
0x49: {  	_ =	shalt  }
0x4a: {  	_ =	shalt  }
0x4b: {  	_ =	shalt  }
0x4c: {  	_ =	shalt  }
0x4d: {  	_ =	shalt  }
0x4e: {  	_ =	shalt  }
0x4f: {  	_ =	shalt  }
0x50: {  	_ =	shalt  }
0x51: {  	_ =	shalt  }
0x52: {  	_ =	shalt  }
0x53: {  	_ =	shalt  }
0x54: {  	_ =	shalt  }
0x55: {  	_ =	shalt  }
0x56: {  	_ =	shalt  }
0x57: {  	_ =	shalt  }
0x58: {  	_ =	shalt  }
0x59: {  	_ =	shalt  }
0x5a: {  	_ =	shalt  }
0x5b: {  	_ =	shalt  }
0x5c: {  	_ =	shalt  }
0x5d: {  	_ =	shalt  }
0x5e: {  	_ =	shalt  }
0x5f: {  	_ =	shalt  }
0x60: {  	_ =	shalt  }
0x61: {  	_ =	shalt  }
0x62: {  	_ =	shalt  }
0x63: {  	_ =	shalt  }
0x64: {  	_ =	shalt  }
0x65: {  	_ =	shalt  }
0x66: {  	_ =	shalt  }
0x67: {  	_ =	shalt  }
0x68: {  	_ =	shalt  }
0x69: {  	_ =	shalt  }
0x6a: {  	_ =	shalt  }
0x6b: {  	_ =	shalt  }
0x6c: {  	_ =	shalt  }
0x6d: {  	_ =	shalt  }
0x6e: {  	_ =	shalt  }
0x6f: {  	_ =	shalt  }
0x70: {  	_ =	shalt  }
0x71: {  	_ =	shalt  }
0x72: {  	_ =	shalt  }
0x73: {  	_ =	shalt  }
0x74: {  	_ =	shalt  }
0x75: {  	_ =	shalt  }
0x76: {  	_ =	shalt  }
0x77: {  	_ =	shalt  }
0x78: {  	_ =	shalt  }
0x79: {  	_ =	shalt  }
0x7a: {  	_ =	shalt  }
0x7b: {  	_ =	shalt  }
0x7c: {  	_ =	shalt  }
0x7d: {  	_ =	shalt  }
0x7e: {  	_ =	shalt  }
0x7f: {  	_ =	shalt  }
0x80: {  	_ =	shalt  }
0x81: {  	_ =	shalt  }
0x82: {  	_ =	shalt  }
0x83: {  	_ =	shalt  }
0x84: {  	_ =	shalt  }
0x85: {  	_ =	shalt  }
0x86: {  	_ =	shalt  }
0x87: {  	_ =	shalt  }
.Lfunc_end0:
.L_simem_size_0:
called_computation_lowered:
.L_overlay_start_0:
0x88: {  	s2 =	sld [smem:$0x3FD9]  }
0x89: {  	s3 =	sld [smem:$0x3FFE];
	_ =	sdelay $0x1  }
0x8a: {  	s1 =	srdreg.scid  }
0x8b: {  	s0 =	sand.u32 $0x1, s1  }
0x8c: {  	s14 =	sshll.u32 s0, $0xA;
	s2 =	sadd.s32 s3, s2  }
0x8d: {  	s2 =	sadd.s32 s2, s14  }
0x8e: {  	[smem:$0x3FC6] =	sst s2  }
0x8f: {  	_ = 	snop  }
0x90: {  	s2 =	sld [smem:$0x3FD0];
	_ =	sdelay $0x2  }
0x91: {  	s4 =	simm.s32 $0xA;
	s5 =	simm.s32 $0x10;
	s15 =	sld [smem:$0x3FC8]  }
0x92: {  	[smem:s5], [sflag:s4] =	dma.local [hbm:s2], $0x1  }
0x93: {  	_ =	swait.eq [sflag:s4], $0x1  }
0x94: {  	[sflag:s4] =	ssyncset.done $0x0  }
0x95: {  	[sflag:s4] =	ssyncadd.s32 $0xFFFFFFFF  }
0x96: {  	s16 =	sld [smem:$0x10];
	(tm) =	ssettm $0x1  }
0x97: {  	s17 =	sld [smem:$0x3FFB];
	_ =	sdelay $0x3  }
0x98: {  	_ =	strace s17  }
0x99: {  	s4 =	sld [smem:$0x3FFC];
	_ =	sdelay $0x3  }
0x9a: {  	_ =	strace s4  }
0x9b: {  	s4 =	sld [smem:$0x3FFD];
	_ =	sdelay $0x3  }
0x9c: {  	_ =	strace s4  }
0x9d: {  	_ =	strace $0x8FFFFFFF  }
0x9e: {  	s18 =	sld [smem:$0x3FDB];
	_ =	sdelay $0x1  }
0x9f: {  	s19 =	simm.s32 $_scs_section_size  }
0xa0: {  	s6 =	simm.s32 $_size__tile_overlayer_lowered;
	s7 =	simm.s32 $_tile_overlayer_lowered  }
0xa1: {  	s22 =	simm.s32 $0x1BFF;
	s21 =	sshll.u32 s7, $0x1;
	s4 =	sadd.s32 s19, s18  }
0xa2: {  	s8 =	simm.s32 $0x0;
	s20 =	sshll.u32 s6, $0x1;
	s6 =	sadd.s32 s21, s4  }
0xa3: {  	[timem:s8], [sflag:s22] =	dma.local [hbm:s6], s20  }
0xa4: {  	_ =	swait.ge [sflag:s22], s20  }
0xa5: {  	s5 =	ssub.s32 $0x0, s20;
	[sflag:s22] =	ssyncset.done $0x0  }
0xa6: {  	[sflag:s22] =	ssyncadd.s32 s5;
	_ =	sdelay $0x1  }
0xa7: {  	s23 =	simm.s32 $0x1B8B  }
0xa8: {  	_ =	swait.ge [sflag:s23], $0x1  }
0xa9: {  	[sflag:s23] =	ssyncset.done $0x0  }
0xaa: {  	s25 =	simm.s32 $0x1B8E;
	s24 =	sld [smem:$0x3FFE];
	[sflag:s23] =	ssyncadd.s32 $0xFFFFFFFF  }
0xab: {  	s26 =	simm.s32 $execute0_lowered;
	[smem:$0x3FD2] =	sst s25  }
0xac: {  	s6 =	sshll.u32 s26, $0x1;
	_ =	strace $0x80000046;
	[dreg:$0x1] =	wrdreg $0xFFFFFFFF  }
0xad: {  	s28 =	simm.s32 $_size_execute0_lowered;
	s4 =	sadd.s32 s4, s6;
	[dreg:$0x0] =	wrdreg $0x0  }
0xae: {  	s6 =	sshll.u32 s28, $0x1;
	[dreg:$0x2] =	wrdreg s4  }
0xaf: {  	[dreg:$0x3] =	wrdreg s6  }
0xb0: {  	[dreg:$0x4] =	wrdreg $0xC0  }
0xb1: {  	_ =	task [dreg:s8], $0x5FFFF  }
0xb2: {  	[dreg:$0x1] =	wrdreg $0xFFFFFFFF  }
0xb3: {  	[dreg:$0x0] =	wrdreg $0x60  }
0xb4: {  	[dreg:$0x2] =	wrdreg s15  }
0xb5: {  	[dreg:$0x3] =	wrdreg s24  }
0xb6: {  	[dreg:$0x4] =	wrdreg s16  }
0xb7: {  	[dreg:$0x5] =	wrdreg $0x84000  }
0xb8: {  	[dreg:$0x6] =	wrdreg $0x9  }
0xb9: {  	_ =	task.clear_ibuf [dreg:s8], $0x7FFFF;
	_ =	strace $0x90000046  }
0xba: {  	s29 =	simm.s32 $0x9;
	_ =	strace $0x80000048  }
0xbb: {  	_ =	swait.ge [sflag:s29], $0x1  }
0xbc: {  	[sflag:s29] =	ssyncadd.s32 $0xFFFFFFFF  }
0xbd: {  	_ =	strace $0x90000048  }
0xbe: {  	_ =	sfence  }
0xbf: {  	s30 =	sld [smem:$0x0];
	_ =	sdelay $0x2  }
0xc0: {  	s31 =	sshll.u32 s1, $0xD;
	s1 =	sshrl.u32 s1, $0x2  }
0xc1: {  	s3 =	sand.u32 $0x4000, s31;
	s1 =	sadd.s32 s1, s30  }
0xc2: {  	s0 =	sor.u32 s3, s0;
	s1 =	sshll.u32 s1, $0x11  }
0xc3: {  	s0 =	sor.u32 s1, s0  }
0xc4: {  	s0 =	sadd.s32 $0x8F2B, s0  }
0xc5: {  	[sflag:s0] =	ssyncadd.remote.s32 $0x1  }
0xc6: {  	_ =	sfence.sel $0xFFFF  }
0xc7: {  	[dreg:$0x0] =	wrdreg $0xFFFFFFFF;
	(pc) =	sbr.abs _section_cstart, $3  }
0xc8: {  	[dreg:$0x1] =	wrdreg $0xFFFFFFFF  }
0xc9: {  	_ =	task.clear_ibuf [dreg:s8], $0x2FFFF;
	_ =	strace $0x9FFFFFFF  }
0xca: {  	(tm) =	ssettm $0x7FFFFFFF  }
0xcb: {  	_ =	shalt  }
tec
execute0_lowered:
.L_overlay_start_1:
0x0: {  	(tag) =	ssettag $0x1  }
0x1: {  	s1 =	rddreg [dreg:$0x0]  }
0x2: {  	s4 =	rddreg [dreg:$0x1]  }
0x3: {  	s5 =	rddreg [dreg:$0x2]  }
0x4: {  	s2 =	rddreg [dreg:$0x3]  }
0x5: {  	s3 =	srdreg.scid;
	s6 =	stileid.u32  }
0x6: {  	s11 =	simm.s32 $0xA00;
	s12 =	simm.s32 $0x1200;
	s13 =	simm.s32 $0x1A00  }
0x7: {  	s14 =	simm.s32 $0x2200;
	s15 =	simm.s32 $0x2A00;
	s16 =	simm.s32 $0x3200  }
0x8: {  	s17 =	simm.s32 $0x3A00;
	s18 =	simm.s32 $0x4200;
	s19 =	simm.s32 $0x4A00  }
0x9: {  	s20 =	simm.s32 $0x5200;
	s21 =	simm.s32 $0x5A00;
	s22 =	simm.s32 $0x6200  }
0xa: {  	s23 =	simm.s32 $0x6A00;
	s7 =	sand.u32 $0x1, s3;
	s3 =	simm.s32 $0x0  }
0xb: {  	s8 =	sshll.u32 s6, $0xA;
	s10 =	sadd.s32 $0x1A00, s4;
	s24 =	sadd.s32 $0x1E00, s4  }
0xc: {  	p0 =	sne.s32 s6, $0x0;
	s9 =	sshll.u32 s7, $0x9;
	[smem:$0x7FF] =	sst s3  }
0xd: {  	s25 =	sshll.u32 s7, $0x4;
	s26 =	ssub.s32 $0x2, s7;
	s7 =	simm.s32 $0x2  }
0xe: {  	s8 =	sor.u32 s9, s8;
	_ =	strace $0x80000047;
	[dreg:$0x5] =	wrdreg s10  }
0xf: {  	[dreg:$0x6] =	wrdreg s24;
	s10 =	sadd.s32 s25, s4;
	s29 =	sshrl.u32 s26, $0x1  }
0x10: {  	s24 =	simm.s32 $0x7200;
	s9 =	sshrl.u32 s8, $0x3;
	s8 =	sshll.u32 s8, $0x5  }
0x11: {  	s25 =	simm.s32 $0x7A00;
	s9 =	sadd.s32 s9, s4;
	s4 =	sadd.s32 s5, s8  }
0x12: {  	s8 =	ssub.s32 s26, s29;
	s5 =	sadd.s32 $0x2000, s10;
	s9 =	sadd.s32 $0x1200, s9  }
0x13: {  	s10 =	simm.s32 $0x200;
	s28 =	sadd.s32 $0x1000, s4;
	[dreg:$0x7] =	wrdreg s9  }
0x14: {  	v2 =	vlaneseq.u32;
	s26 =	simm.s32 $0x1;
	s30 =	sadd.s32 $0x2000, s4;
	[dreg:$0x8] =	wrdreg s28  }
0x15: {  	vm0 =	vmmov $0xffff;
	v1 =	vshrl.u32 v2, $0x3;
	s31 =	sadd.s32 $0x3000, s4;
	s6 =	smax.u32 s8, $0x1;
	[dreg:$0x9] =	wrdreg s30  }
0x16: {  	v0 =	vand.u32 $0x7, v2;
	v2 =	vor.u32 $0x8, v2;
	v1 =	vmul.u32 $0x8, v1;
	s8 =	sshrl.u32 @!p0 s2, $0x3;
	[dreg:$0xa] =	wrdreg s31;
	s9 =	simm.s32 $0x8200  }
.LBB2_1:
0x17: {  	s28 =	rddreg [dreg:$0x7]  }
0x18: {  	[tilespmem:s3], [sflag:$0x2] =	stream.linear.gather [hbm4b:s28+s3], $0x200, $0x38;
	[tilespmem:$0x8600] =	vst v63  }
0x19: {  	_ =	swait.ge [sflag:s7], $0x200  }
0x1a: {  	[sflag:s7] =	ssyncset.done $0x0  }
0x1b: {  	s29 =	simm.s32 @!p0 $0x1C02;
	s28 =	rddreg [dreg:$0x5];
	[sflag:s7] =	ssyncadd.s32 $0xFFFFFE00  }
0x1c: {  	[spmem:s8], [sflag:s29] =	dma.local @!p0 [hbm:s28], $0x400  }
0x1d: {  	s28 =	simm.s32 @!p0 $0x2  }
0x1e: {  	_ =	swait.ge @!p0 [sflag:s28], $0x400  }
0x1f: {  	[sflag:s28] =	ssyncset.done @!p0 $0x0  }
0x20: {  	[sflag:s28] =	ssyncadd.s32 @!p0 $0xFFFFFC00  }
0x21: {  	[bflag:$0x0] =	sbarrier.arrive $0xFFFF  }
0x22: {  	s30 =	rddreg [dreg:$0x6]  }
0x23: {  	[tilespmem:s9], [sflag:$0x2] =	stream.linear.gather [hbm4b:s30+s3], $0x200, $0x38;
	[tilespmem:$0x8600] =	vst v63  }
0x24: {  	_ =	swait.ge [sflag:s7], $0x200  }
0x25: {  	[sflag:s7] =	ssyncset.done $0x0  }
0x26: {  	[sflag:s7] =	ssyncadd.s32 $0xFFFFFE00  }
0x27: {  	[spmem:s2] =	stream.indirect.scatter.add.f32 [tilespmem:s9], [sflag:$0x2], $0x1, s3, s10, $0xb8;
	[tilespmem:$0x8600] =	vst v63  }
0x28: {  	_ =	swait.ge [sflag:s7], $0x200  }
0x29: {  	[sflag:s7] =	ssyncset.done $0x0  }
0x2a: {  	[sflag:s7] =	ssyncadd.s32 $0xFFFFFE00  }
0x2b: {  	v3 =	vld [tilespmem:$0x0];
	_ =	sdelay $0x4  }
0x2c: {  	v4 =	vshll.u32 v3, $0x1  }
0x2d: {  	v3 =	vand.u32 $0x7, v3;
	v4 =	vand.u32 $0xFFFFFFF0, v4  }
0x2e: {  	v3 =	vor.u32 v3, v4  }
0x2f: {  	v4 =	vperm.xlane v3, v0;
	_ =	sdelay $0x1  }
0x30: {  	v3 =	vperm.xlane v3, v2;
	v4 =	vadd.s32 v1, v4;
	_ =	sdelay $0x1  }
0x31: {  	v3 =	vadd.s32 v1, v3;
	_ =	sdelay $0x2  }
0x32: {  	[tilespmem:s10], [sflag:$0x1] =	stream.indirect_vreg.gather [hbm4b:s1+s3], $0x80, v4, vm0, $0xb8;
	[tilespmem:$0x8600] =	vst v63  }
0x33: {  	_ = 	snop  }
0x34: {  	[tilespmem:s11], [sflag:$0x1] =	stream.indirect_vreg.gather [hbm4b:s1+s3], $0x80, v3, vm0, $0xb8;
	[tilespmem:$0x8600] =	vst v63  }
0x35: {  	v3 =	vld [tilespmem:$0x10];
	_ =	sdelay $0x4  }
0x36: {  	v33 =	vshll.u32 v3, $0x1  }
0x37: {  	v3 =	vand.u32 $0x7, v3;
	v4 =	vand.u32 $0xFFFFFFF0, v33  }
0x38: {  	v3 =	vor.u32 v3, v4  }
0x39: {  	v4 =	vperm.xlane v3, v0;
	_ =	sdelay $0x1  }
0x3a: {  	v3 =	vperm.xlane v3, v2;
	v4 =	vadd.s32 v1, v4;
	_ =	sdelay $0x1  }
0x3b: {  	v3 =	vadd.s32 v1, v3;
	_ =	sdelay $0x2  }
0x3c: {  	[tilespmem:s12], [sflag:$0x1] =	stream.indirect_vreg.gather [hbm4b:s1+s3], $0x80, v4, vm0, $0xb8;
	[tilespmem:$0x8600] =	vst v63  }
0x3d: {  	_ = 	snop  }
0x3e: {  	[tilespmem:s13], [sflag:$0x1] =	stream.indirect_vreg.gather [hbm4b:s1+s3], $0x80, v3, vm0, $0xb8;
	[tilespmem:$0x8600] =	vst v63  }
0x3f: {  	v3 =	vld [tilespmem:$0x20];
	_ =	sdelay $0x4  }
0x40: {  	v34 =	vshll.u32 v3, $0x1  }
0x41: {  	v3 =	vand.u32 $0x7, v3;
	v4 =	vand.u32 $0xFFFFFFF0, v34  }
0x42: {  	v3 =	vor.u32 v3, v4  }
0x43: {  	v4 =	vperm.xlane v3, v0;
	_ =	sdelay $0x1  }
0x44: {  	v3 =	vperm.xlane v3, v2;
	v4 =	vadd.s32 v1, v4;
	_ =	sdelay $0x1  }
0x45: {  	v3 =	vadd.s32 v1, v3;
	_ =	sdelay $0x2  }
0x46: {  	[tilespmem:s14], [sflag:$0x1] =	stream.indirect_vreg.gather [hbm4b:s1+s3], $0x80, v4, vm0, $0xb8;
	[tilespmem:$0x8600] =	vst v63  }
0x47: {  	_ = 	snop  }
0x48: {  	[tilespmem:s15], [sflag:$0x1] =	stream.indirect_vreg.gather [hbm4b:s1+s3], $0x80, v3, vm0, $0xb8;
	[tilespmem:$0x8600] =	vst v63  }
0x49: {  	v3 =	vld [tilespmem:$0x30];
	_ =	sdelay $0x4  }
0x4a: {  	v35 =	vshll.u32 v3, $0x1  }
0x4b: {  	v3 =	vand.u32 $0x7, v3;
	v4 =	vand.u32 $0xFFFFFFF0, v35  }
0x4c: {  	v3 =	vor.u32 v3, v4  }
0x4d: {  	v4 =	vperm.xlane v3, v0;
	_ =	sdelay $0x1  }
0x4e: {  	v3 =	vperm.xlane v3, v2;
	v4 =	vadd.s32 v1, v4;
	_ =	sdelay $0x1  }
0x4f: {  	v3 =	vadd.s32 v1, v3;
	_ =	sdelay $0x2  }
0x50: {  	[tilespmem:s16], [sflag:$0x1] =	stream.indirect_vreg.gather [hbm4b:s1+s3], $0x80, v4, vm0, $0xb8;
	[tilespmem:$0x8600] =	vst v63  }
0x51: {  	_ = 	snop  }
0x52: {  	[tilespmem:s17], [sflag:$0x1] =	stream.indirect_vreg.gather [hbm4b:s1+s3], $0x80, v3, vm0, $0xb8;
	[tilespmem:$0x8600] =	vst v63  }
0x53: {  	v3 =	vld [tilespmem:$0x40];
	_ =	sdelay $0x4  }
0x54: {  	v36 =	vshll.u32 v3, $0x1  }
0x55: {  	v3 =	vand.u32 $0x7, v3;
	v4 =	vand.u32 $0xFFFFFFF0, v36  }
0x56: {  	v3 =	vor.u32 v3, v4  }
0x57: {  	v4 =	vperm.xlane v3, v0;
	_ =	sdelay $0x1  }
0x58: {  	v3 =	vperm.xlane v3, v2;
	v4 =	vadd.s32 v1, v4;
	_ =	sdelay $0x1  }
0x59: {  	v3 =	vadd.s32 v1, v3;
	_ =	sdelay $0x2  }
0x5a: {  	[tilespmem:s18], [sflag:$0x1] =	stream.indirect_vreg.gather [hbm4b:s1+s3], $0x80, v4, vm0, $0xb8;
	[tilespmem:$0x8600] =	vst v63  }
0x5b: {  	_ = 	snop  }
0x5c: {  	[tilespmem:s19], [sflag:$0x1] =	stream.indirect_vreg.gather [hbm4b:s1+s3], $0x80, v3, vm0, $0xb8;
	[tilespmem:$0x8600] =	vst v63  }
0x5d: {  	v3 =	vld [tilespmem:$0x50];
	_ =	sdelay $0x4  }
0x5e: {  	v37 =	vshll.u32 v3, $0x1  }
0x5f: {  	v3 =	vand.u32 $0x7, v3;
	v4 =	vand.u32 $0xFFFFFFF0, v37  }
0x60: {  	v3 =	vor.u32 v3, v4  }
0x61: {  	v4 =	vperm.xlane v3, v0;
	_ =	sdelay $0x1  }
0x62: {  	v3 =	vperm.xlane v3, v2;
	v4 =	vadd.s32 v1, v4;
	_ =	sdelay $0x1  }
0x63: {  	v3 =	vadd.s32 v1, v3;
	_ =	sdelay $0x2  }
0x64: {  	[tilespmem:s20], [sflag:$0x1] =	stream.indirect_vreg.gather [hbm4b:s1+s3], $0x80, v4, vm0, $0xb8;
	[tilespmem:$0x8600] =	vst v63  }
0x65: {  	_ = 	snop  }
0x66: {  	[tilespmem:s21], [sflag:$0x1] =	stream.indirect_vreg.gather [hbm4b:s1+s3], $0x80, v3, vm0, $0xb8;
	[tilespmem:$0x8600] =	vst v63  }
0x67: {  	v3 =	vld [tilespmem:$0x60];
	_ =	sdelay $0x4  }
0x68: {  	v38 =	vshll.u32 v3, $0x1  }
0x69: {  	v3 =	vand.u32 $0x7, v3;
	v4 =	vand.u32 $0xFFFFFFF0, v38  }
0x6a: {  	v3 =	vor.u32 v3, v4  }
0x6b: {  	v4 =	vperm.xlane v3, v0;
	_ =	sdelay $0x1  }
0x6c: {  	v3 =	vperm.xlane v3, v2;
	v4 =	vadd.s32 v1, v4;
	_ =	sdelay $0x1  }
0x6d: {  	v3 =	vadd.s32 v1, v3;
	_ =	sdelay $0x2  }
0x6e: {  	[tilespmem:s22], [sflag:$0x1] =	stream.indirect_vreg.gather [hbm4b:s1+s3], $0x80, v4, vm0, $0xb8;
	[tilespmem:$0x8600] =	vst v63  }
0x6f: {  	_ = 	snop  }
0x70: {  	[tilespmem:s23], [sflag:$0x1] =	stream.indirect_vreg.gather [hbm4b:s1+s3], $0x80, v3, vm0, $0xb8;
	[tilespmem:$0x8600] =	vst v63  }
0x71: {  	v3 =	vld [tilespmem:$0x70];
	_ =	sdelay $0x4  }
0x72: {  	v39 =	vshll.u32 v3, $0x1  }
0x73: {  	v3 =	vand.u32 $0x7, v3;
	v4 =	vand.u32 $0xFFFFFFF0, v39  }
0x74: {  	v3 =	vor.u32 v3, v4  }
0x75: {  	v4 =	vperm.xlane v3, v0;
	_ =	sdelay $0x1  }
0x76: {  	v3 =	vperm.xlane v3, v2;
	v4 =	vadd.s32 v1, v4;
	_ =	sdelay $0x1  }
0x77: {  	v3 =	vadd.s32 v1, v3;
	_ =	sdelay $0x2  }
0x78: {  	[tilespmem:s24], [sflag:$0x1] =	stream.indirect_vreg.gather [hbm4b:s1+s3], $0x80, v4, vm0, $0xb8;
	[tilespmem:$0x8600] =	vst v63  }
0x79: {  	_ = 	snop  }
0x7a: {  	[tilespmem:s25], [sflag:$0x1] =	stream.indirect_vreg.gather [hbm4b:s1+s3], $0x80, v3, vm0, $0xb8;
	[tilespmem:$0x8600] =	vst v63  }
0x7b: {  	_ =	swait.ge [sflag:s26], $0x8000  }
0x7c: {  	[sflag:s26] =	ssyncset.done $0x0  }
0x7d: {  	[sflag:s26] =	ssyncadd.s32 $0xFFFF8000  }
0x7e: {  	[hbm4b:s4+s3] =	stream.linear.scatter [tilespmem:s10], [sflag:$0x2], $0x8000, $0x38;
	[tilespmem:$0x8600] =	vst v63  }
0x7f: {  	_ =	swait.ge [sflag:s7], $0x8000  }
0x80: {  	[sflag:s7] =	ssyncset.done $0x0  }
0x81: {  	[sflag:s7] =	ssyncadd.s32 $0xFFFF8000  }
0x82: {  	v3 =	vld [tilespmem:$0x80];
	_ =	sdelay $0x4  }
0x83: {  	v40 =	vshll.u32 v3, $0x1  }
0x84: {  	v3 =	vand.u32 $0x7, v3;
	v4 =	vand.u32 $0xFFFFFFF0, v40  }
0x85: {  	v3 =	vor.u32 v3, v4  }
0x86: {  	v4 =	vperm.xlane v3, v0;
	_ =	sdelay $0x1  }
0x87: {  	v3 =	vperm.xlane v3, v2;
	v4 =	vadd.s32 v1, v4;
	_ =	sdelay $0x1  }
0x88: {  	v3 =	vadd.s32 v1, v3;
	_ =	sdelay $0x2  }
0x89: {  	[tilespmem:s10], [sflag:$0x1] =	stream.indirect_vreg.gather [hbm4b:s1+s3], $0x80, v4, vm0, $0xb8;
	[tilespmem:$0x8600] =	vst v63  }
0x8a: {  	_ = 	snop  }
0x8b: {  	[tilespmem:s11], [sflag:$0x1] =	stream.indirect_vreg.gather [hbm4b:s1+s3], $0x80, v3, vm0, $0xb8;
	[tilespmem:$0x8600] =	vst v63  }
0x8c: {  	v3 =	vld [tilespmem:$0x90];
	_ =	sdelay $0x4  }
0x8d: {  	v41 =	vshll.u32 v3, $0x1  }
0x8e: {  	v3 =	vand.u32 $0x7, v3;
	v4 =	vand.u32 $0xFFFFFFF0, v41  }
0x8f: {  	v3 =	vor.u32 v3, v4  }
0x90: {  	v4 =	vperm.xlane v3, v0;
	_ =	sdelay $0x1  }
0x91: {  	v3 =	vperm.xlane v3, v2;
	v4 =	vadd.s32 v1, v4;
	_ =	sdelay $0x1  }
0x92: {  	v3 =	vadd.s32 v1, v3;
	_ =	sdelay $0x2  }
0x93: {  	[tilespmem:s12], [sflag:$0x1] =	stream.indirect_vreg.gather [hbm4b:s1+s3], $0x80, v4, vm0, $0xb8;
	[tilespmem:$0x8600] =	vst v63  }
0x94: {  	_ = 	snop  }
0x95: {  	[tilespmem:s13], [sflag:$0x1] =	stream.indirect_vreg.gather [hbm4b:s1+s3], $0x80, v3, vm0, $0xb8;
	[tilespmem:$0x8600] =	vst v63  }
0x96: {  	v3 =	vld [tilespmem:$0xA0];
	_ =	sdelay $0x4  }
0x97: {  	v42 =	vshll.u32 v3, $0x1  }
0x98: {  	v3 =	vand.u32 $0x7, v3;
	v4 =	vand.u32 $0xFFFFFFF0, v42  }
0x99: {  	v3 =	vor.u32 v3, v4  }
0x9a: {  	v4 =	vperm.xlane v3, v0;
	_ =	sdelay $0x1  }
0x9b: {  	v3 =	vperm.xlane v3, v2;
	v4 =	vadd.s32 v1, v4;
	_ =	sdelay $0x1  }
0x9c: {  	v3 =	vadd.s32 v1, v3;
	_ =	sdelay $0x2  }
0x9d: {  	[tilespmem:s14], [sflag:$0x1] =	stream.indirect_vreg.gather [hbm4b:s1+s3], $0x80, v4, vm0, $0xb8;
	[tilespmem:$0x8600] =	vst v63  }
0x9e: {  	_ = 	snop  }
0x9f: {  	[tilespmem:s15], [sflag:$0x1] =	stream.indirect_vreg.gather [hbm4b:s1+s3], $0x80, v3, vm0, $0xb8;
	[tilespmem:$0x8600] =	vst v63  }
0xa0: {  	v3 =	vld [tilespmem:$0xB0];
	_ =	sdelay $0x4  }
0xa1: {  	v43 =	vshll.u32 v3, $0x1  }
0xa2: {  	v3 =	vand.u32 $0x7, v3;
	v4 =	vand.u32 $0xFFFFFFF0, v43  }
0xa3: {  	v3 =	vor.u32 v3, v4  }
0xa4: {  	v4 =	vperm.xlane v3, v0;
	_ =	sdelay $0x1  }
0xa5: {  	v3 =	vperm.xlane v3, v2;
	v4 =	vadd.s32 v1, v4;
	_ =	sdelay $0x1  }
0xa6: {  	v3 =	vadd.s32 v1, v3;
	_ =	sdelay $0x2  }
0xa7: {  	[tilespmem:s16], [sflag:$0x1] =	stream.indirect_vreg.gather [hbm4b:s1+s3], $0x80, v4, vm0, $0xb8;
	[tilespmem:$0x8600] =	vst v63  }
0xa8: {  	_ = 	snop  }
0xa9: {  	[tilespmem:s17], [sflag:$0x1] =	stream.indirect_vreg.gather [hbm4b:s1+s3], $0x80, v3, vm0, $0xb8;
	[tilespmem:$0x8600] =	vst v63  }
0xaa: {  	v3 =	vld [tilespmem:$0xC0];
	_ =	sdelay $0x4  }
0xab: {  	v44 =	vshll.u32 v3, $0x1  }
0xac: {  	v3 =	vand.u32 $0x7, v3;
	v4 =	vand.u32 $0xFFFFFFF0, v44  }
0xad: {  	v3 =	vor.u32 v3, v4  }
0xae: {  	v4 =	vperm.xlane v3, v0;
	_ =	sdelay $0x1  }
0xaf: {  	v3 =	vperm.xlane v3, v2;
	v4 =	vadd.s32 v1, v4;
	_ =	sdelay $0x1  }
0xb0: {  	v3 =	vadd.s32 v1, v3;
	_ =	sdelay $0x2  }
0xb1: {  	[tilespmem:s18], [sflag:$0x1] =	stream.indirect_vreg.gather [hbm4b:s1+s3], $0x80, v4, vm0, $0xb8;
	[tilespmem:$0x8600] =	vst v63  }
0xb2: {  	_ = 	snop  }
0xb3: {  	[tilespmem:s19], [sflag:$0x1] =	stream.indirect_vreg.gather [hbm4b:s1+s3], $0x80, v3, vm0, $0xb8;
	[tilespmem:$0x8600] =	vst v63  }
0xb4: {  	v3 =	vld [tilespmem:$0xD0];
	_ =	sdelay $0x4  }
0xb5: {  	v45 =	vshll.u32 v3, $0x1  }
0xb6: {  	v3 =	vand.u32 $0x7, v3;
	v4 =	vand.u32 $0xFFFFFFF0, v45  }
0xb7: {  	v3 =	vor.u32 v3, v4  }
0xb8: {  	v4 =	vperm.xlane v3, v0;
	_ =	sdelay $0x1  }
0xb9: {  	v3 =	vperm.xlane v3, v2;
	v4 =	vadd.s32 v1, v4;
	_ =	sdelay $0x1  }
0xba: {  	v3 =	vadd.s32 v1, v3;
	_ =	sdelay $0x2  }
0xbb: {  	[tilespmem:s20], [sflag:$0x1] =	stream.indirect_vreg.gather [hbm4b:s1+s3], $0x80, v4, vm0, $0xb8;
	[tilespmem:$0x8600] =	vst v63  }
0xbc: {  	_ = 	snop  }
0xbd: {  	[tilespmem:s21], [sflag:$0x1] =	stream.indirect_vreg.gather [hbm4b:s1+s3], $0x80, v3, vm0, $0xb8;
	[tilespmem:$0x8600] =	vst v63  }
0xbe: {  	v3 =	vld [tilespmem:$0xE0];
	_ =	sdelay $0x4  }
0xbf: {  	v46 =	vshll.u32 v3, $0x1  }
0xc0: {  	v3 =	vand.u32 $0x7, v3;
	v4 =	vand.u32 $0xFFFFFFF0, v46  }
0xc1: {  	v3 =	vor.u32 v3, v4  }
0xc2: {  	v4 =	vperm.xlane v3, v0;
	_ =	sdelay $0x1  }
0xc3: {  	v3 =	vperm.xlane v3, v2;
	v4 =	vadd.s32 v1, v4;
	_ =	sdelay $0x1  }
0xc4: {  	v3 =	vadd.s32 v1, v3;
	_ =	sdelay $0x2  }
0xc5: {  	[tilespmem:s22], [sflag:$0x1] =	stream.indirect_vreg.gather [hbm4b:s1+s3], $0x80, v4, vm0, $0xb8;
	[tilespmem:$0x8600] =	vst v63  }
0xc6: {  	_ = 	snop  }
0xc7: {  	[tilespmem:s23], [sflag:$0x1] =	stream.indirect_vreg.gather [hbm4b:s1+s3], $0x80, v3, vm0, $0xb8;
	[tilespmem:$0x8600] =	vst v63  }
0xc8: {  	v3 =	vld [tilespmem:$0xF0];
	_ =	sdelay $0x4  }
0xc9: {  	v47 =	vshll.u32 v3, $0x1  }
0xca: {  	v3 =	vand.u32 $0x7, v3;
	v4 =	vand.u32 $0xFFFFFFF0, v47  }
0xcb: {  	v3 =	vor.u32 v3, v4  }
0xcc: {  	v4 =	vperm.xlane v3, v0;
	_ =	sdelay $0x1  }
0xcd: {  	v3 =	vperm.xlane v3, v2;
	v4 =	vadd.s32 v1, v4;
	_ =	sdelay $0x1  }
0xce: {  	v3 =	vadd.s32 v1, v3;
	_ =	sdelay $0x2  }
0xcf: {  	[tilespmem:s24], [sflag:$0x1] =	stream.indirect_vreg.gather [hbm4b:s1+s3], $0x80, v4, vm0, $0xb8;
	[tilespmem:$0x8600] =	vst v63  }
0xd0: {  	_ = 	snop  }
0xd1: {  	[tilespmem:s25], [sflag:$0x1] =	stream.indirect_vreg.gather [hbm4b:s1+s3], $0x80, v3, vm0, $0xb8;
	[tilespmem:$0x8600] =	vst v63  }
0xd2: {  	_ =	swait.ge [sflag:s26], $0x8000  }
0xd3: {  	[sflag:s26] =	ssyncset.done $0x0  }
0xd4: {  	s31 =	rddreg [dreg:$0x8];
	[sflag:s26] =	ssyncadd.s32 $0xFFFF8000  }
0xd5: {  	[hbm4b:s31+s3] =	stream.linear.scatter [tilespmem:s10], [sflag:$0x2], $0x8000, $0x38;
	[tilespmem:$0x8600] =	vst v63  }
0xd6: {  	_ =	swait.ge [sflag:s7], $0x8000  }
0xd7: {  	[sflag:s7] =	ssyncset.done $0x0  }
0xd8: {  	[sflag:s7] =	ssyncadd.s32 $0xFFFF8000  }
0xd9: {  	v3 =	vld [tilespmem:$0x100];
	_ =	sdelay $0x4  }
0xda: {  	v48 =	vshll.u32 v3, $0x1  }
0xdb: {  	v3 =	vand.u32 $0x7, v3;
	v4 =	vand.u32 $0xFFFFFFF0, v48  }
0xdc: {  	v3 =	vor.u32 v3, v4  }
0xdd: {  	v4 =	vperm.xlane v3, v0;
	_ =	sdelay $0x1  }
0xde: {  	v3 =	vperm.xlane v3, v2;
	v4 =	vadd.s32 v1, v4;
	_ =	sdelay $0x1  }
0xdf: {  	v3 =	vadd.s32 v1, v3;
	_ =	sdelay $0x2  }
0xe0: {  	[tilespmem:s10], [sflag:$0x1] =	stream.indirect_vreg.gather [hbm4b:s1+s3], $0x80, v4, vm0, $0xb8;
	[tilespmem:$0x8600] =	vst v63  }
0xe1: {  	_ = 	snop  }
0xe2: {  	[tilespmem:s11], [sflag:$0x1] =	stream.indirect_vreg.gather [hbm4b:s1+s3], $0x80, v3, vm0, $0xb8;
	[tilespmem:$0x8600] =	vst v63  }
0xe3: {  	v3 =	vld [tilespmem:$0x110];
	_ =	sdelay $0x4  }
0xe4: {  	v49 =	vshll.u32 v3, $0x1  }
0xe5: {  	v3 =	vand.u32 $0x7, v3;
	v4 =	vand.u32 $0xFFFFFFF0, v49  }
0xe6: {  	v3 =	vor.u32 v3, v4  }
0xe7: {  	v4 =	vperm.xlane v3, v0;
	_ =	sdelay $0x1  }
0xe8: {  	v3 =	vperm.xlane v3, v2;
	v4 =	vadd.s32 v1, v4;
	_ =	sdelay $0x1  }
0xe9: {  	v3 =	vadd.s32 v1, v3;
	_ =	sdelay $0x2  }
0xea: {  	[tilespmem:s12], [sflag:$0x1] =	stream.indirect_vreg.gather [hbm4b:s1+s3], $0x80, v4, vm0, $0xb8;
	[tilespmem:$0x8600] =	vst v63  }
0xeb: {  	_ = 	snop  }
0xec: {  	[tilespmem:s13], [sflag:$0x1] =	stream.indirect_vreg.gather [hbm4b:s1+s3], $0x80, v3, vm0, $0xb8;
	[tilespmem:$0x8600] =	vst v63  }
0xed: {  	v3 =	vld [tilespmem:$0x120];
	_ =	sdelay $0x4  }
0xee: {  	v50 =	vshll.u32 v3, $0x1  }
0xef: {  	v3 =	vand.u32 $0x7, v3;
	v4 =	vand.u32 $0xFFFFFFF0, v50  }
0xf0: {  	v3 =	vor.u32 v3, v4  }
0xf1: {  	v4 =	vperm.xlane v3, v0;
	_ =	sdelay $0x1  }
0xf2: {  	v3 =	vperm.xlane v3, v2;
	v4 =	vadd.s32 v1, v4;
	_ =	sdelay $0x1  }
0xf3: {  	v3 =	vadd.s32 v1, v3;
	_ =	sdelay $0x2  }
0xf4: {  	[tilespmem:s14], [sflag:$0x1] =	stream.indirect_vreg.gather [hbm4b:s1+s3], $0x80, v4, vm0, $0xb8;
	[tilespmem:$0x8600] =	vst v63  }
0xf5: {  	_ = 	snop  }
0xf6: {  	[tilespmem:s15], [sflag:$0x1] =	stream.indirect_vreg.gather [hbm4b:s1+s3], $0x80, v3, vm0, $0xb8;
	[tilespmem:$0x8600] =	vst v63  }
0xf7: {  	v3 =	vld [tilespmem:$0x130];
	_ =	sdelay $0x4  }
0xf8: {  	v51 =	vshll.u32 v3, $0x1  }
0xf9: {  	v3 =	vand.u32 $0x7, v3;
	v4 =	vand.u32 $0xFFFFFFF0, v51  }
0xfa: {  	v3 =	vor.u32 v3, v4  }
0xfb: {  	v4 =	vperm.xlane v3, v0;
	_ =	sdelay $0x1  }
0xfc: {  	v3 =	vperm.xlane v3, v2;
	v4 =	vadd.s32 v1, v4;
	_ =	sdelay $0x1  }
0xfd: {  	v3 =	vadd.s32 v1, v3;
	_ =	sdelay $0x2  }
0xfe: {  	[tilespmem:s16], [sflag:$0x1] =	stream.indirect_vreg.gather [hbm4b:s1+s3], $0x80, v4, vm0, $0xb8;
	[tilespmem:$0x8600] =	vst v63  }
0xff: {  	_ = 	snop  }
0x100: {  	[tilespmem:s17], [sflag:$0x1] =	stream.indirect_vreg.gather [hbm4b:s1+s3], $0x80, v3, vm0, $0xb8;
	[tilespmem:$0x8600] =	vst v63  }
0x101: {  	v3 =	vld [tilespmem:$0x140];
	_ =	sdelay $0x4  }
0x102: {  	v52 =	vshll.u32 v3, $0x1  }
0x103: {  	v3 =	vand.u32 $0x7, v3;
	v4 =	vand.u32 $0xFFFFFFF0, v52  }
0x104: {  	v3 =	vor.u32 v3, v4  }
0x105: {  	v4 =	vperm.xlane v3, v0;
	_ =	sdelay $0x1  }
0x106: {  	v3 =	vperm.xlane v3, v2;
	v4 =	vadd.s32 v1, v4;
	_ =	sdelay $0x1  }
0x107: {  	v3 =	vadd.s32 v1, v3;
	_ =	sdelay $0x2  }
0x108: {  	[tilespmem:s18], [sflag:$0x1] =	stream.indirect_vreg.gather [hbm4b:s1+s3], $0x80, v4, vm0, $0xb8;
	[tilespmem:$0x8600] =	vst v63  }
0x109: {  	_ = 	snop  }
0x10a: {  	[tilespmem:s19], [sflag:$0x1] =	stream.indirect_vreg.gather [hbm4b:s1+s3], $0x80, v3, vm0, $0xb8;
	[tilespmem:$0x8600] =	vst v63  }
0x10b: {  	v3 =	vld [tilespmem:$0x150];
	_ =	sdelay $0x4  }
0x10c: {  	v53 =	vshll.u32 v3, $0x1  }
0x10d: {  	v3 =	vand.u32 $0x7, v3;
	v4 =	vand.u32 $0xFFFFFFF0, v53  }
0x10e: {  	v3 =	vor.u32 v3, v4  }
0x10f: {  	v4 =	vperm.xlane v3, v0;
	_ =	sdelay $0x1  }
0x110: {  	v3 =	vperm.xlane v3, v2;
	v4 =	vadd.s32 v1, v4;
	_ =	sdelay $0x1  }
0x111: {  	v3 =	vadd.s32 v1, v3;
	_ =	sdelay $0x2  }
0x112: {  	[tilespmem:s20], [sflag:$0x1] =	stream.indirect_vreg.gather [hbm4b:s1+s3], $0x80, v4, vm0, $0xb8;
	[tilespmem:$0x8600] =	vst v63  }
0x113: {  	_ = 	snop  }
0x114: {  	[tilespmem:s21], [sflag:$0x1] =	stream.indirect_vreg.gather [hbm4b:s1+s3], $0x80, v3, vm0, $0xb8;
	[tilespmem:$0x8600] =	vst v63  }
0x115: {  	v3 =	vld [tilespmem:$0x160];
	_ =	sdelay $0x4  }
0x116: {  	v54 =	vshll.u32 v3, $0x1  }
0x117: {  	v3 =	vand.u32 $0x7, v3;
	v4 =	vand.u32 $0xFFFFFFF0, v54  }
0x118: {  	v3 =	vor.u32 v3, v4  }
0x119: {  	v4 =	vperm.xlane v3, v0;
	_ =	sdelay $0x1  }
0x11a: {  	v3 =	vperm.xlane v3, v2;
	v4 =	vadd.s32 v1, v4;
	_ =	sdelay $0x1  }
0x11b: {  	v3 =	vadd.s32 v1, v3;
	_ =	sdelay $0x2  }
0x11c: {  	[tilespmem:s22], [sflag:$0x1] =	stream.indirect_vreg.gather [hbm4b:s1+s3], $0x80, v4, vm0, $0xb8;
	[tilespmem:$0x8600] =	vst v63  }
0x11d: {  	_ = 	snop  }
0x11e: {  	[tilespmem:s23], [sflag:$0x1] =	stream.indirect_vreg.gather [hbm4b:s1+s3], $0x80, v3, vm0, $0xb8;
	[tilespmem:$0x8600] =	vst v63  }
0x11f: {  	v3 =	vld [tilespmem:$0x170];
	_ =	sdelay $0x4  }
0x120: {  	v55 =	vshll.u32 v3, $0x1  }
0x121: {  	v3 =	vand.u32 $0x7, v3;
	v4 =	vand.u32 $0xFFFFFFF0, v55  }
0x122: {  	v3 =	vor.u32 v3, v4  }
0x123: {  	v4 =	vperm.xlane v3, v0;
	_ =	sdelay $0x1  }
0x124: {  	v3 =	vperm.xlane v3, v2;
	v4 =	vadd.s32 v1, v4;
	_ =	sdelay $0x1  }
0x125: {  	v3 =	vadd.s32 v1, v3;
	_ =	sdelay $0x2  }
0x126: {  	[tilespmem:s24], [sflag:$0x1] =	stream.indirect_vreg.gather [hbm4b:s1+s3], $0x80, v4, vm0, $0xb8;
	[tilespmem:$0x8600] =	vst v63  }
0x127: {  	_ = 	snop  }
0x128: {  	[tilespmem:s25], [sflag:$0x1] =	stream.indirect_vreg.gather [hbm4b:s1+s3], $0x80, v3, vm0, $0xb8;
	[tilespmem:$0x8600] =	vst v63  }
0x129: {  	_ =	swait.ge [sflag:s26], $0x8000  }
0x12a: {  	[sflag:s26] =	ssyncset.done $0x0  }
0x12b: {  	s0 =	rddreg [dreg:$0x9];
	[sflag:s26] =	ssyncadd.s32 $0xFFFF8000  }
0x12c: {  	[hbm4b:s0+s3] =	stream.linear.scatter [tilespmem:s10], [sflag:$0x2], $0x8000, $0x38;
	[tilespmem:$0x8600] =	vst v63  }
0x12d: {  	_ =	swait.ge [sflag:s7], $0x8000  }
0x12e: {  	[sflag:s7] =	ssyncset.done $0x0  }
0x12f: {  	[sflag:s7] =	ssyncadd.s32 $0xFFFF8000  }
0x130: {  	v3 =	vld [tilespmem:$0x180];
	_ =	sdelay $0x4  }
0x131: {  	v56 =	vshll.u32 v3, $0x1  }
0x132: {  	v3 =	vand.u32 $0x7, v3;
	v4 =	vand.u32 $0xFFFFFFF0, v56  }
0x133: {  	v3 =	vor.u32 v3, v4  }
0x134: {  	v4 =	vperm.xlane v3, v0;
	_ =	sdelay $0x1  }
0x135: {  	v3 =	vperm.xlane v3, v2;
	v4 =	vadd.s32 v1, v4;
	_ =	sdelay $0x1  }
0x136: {  	v3 =	vadd.s32 v1, v3;
	_ =	sdelay $0x2  }
0x137: {  	[tilespmem:s10], [sflag:$0x1] =	stream.indirect_vreg.gather [hbm4b:s1+s3], $0x80, v4, vm0, $0xb8;
	[tilespmem:$0x8600] =	vst v63  }
0x138: {  	_ = 	snop  }
0x139: {  	[tilespmem:s11], [sflag:$0x1] =	stream.indirect_vreg.gather [hbm4b:s1+s3], $0x80, v3, vm0, $0xb8;
	[tilespmem:$0x8600] =	vst v63  }
0x13a: {  	v3 =	vld [tilespmem:$0x190];
	_ =	sdelay $0x4  }
0x13b: {  	v57 =	vshll.u32 v3, $0x1  }
0x13c: {  	v3 =	vand.u32 $0x7, v3;
	v4 =	vand.u32 $0xFFFFFFF0, v57  }
0x13d: {  	v3 =	vor.u32 v3, v4  }
0x13e: {  	v4 =	vperm.xlane v3, v0;
	_ =	sdelay $0x1  }
0x13f: {  	v3 =	vperm.xlane v3, v2;
	v4 =	vadd.s32 v1, v4;
	_ =	sdelay $0x1  }
0x140: {  	v3 =	vadd.s32 v1, v3;
	_ =	sdelay $0x2  }
0x141: {  	[tilespmem:s12], [sflag:$0x1] =	stream.indirect_vreg.gather [hbm4b:s1+s3], $0x80, v4, vm0, $0xb8;
	[tilespmem:$0x8600] =	vst v63  }
0x142: {  	_ = 	snop  }
0x143: {  	[tilespmem:s13], [sflag:$0x1] =	stream.indirect_vreg.gather [hbm4b:s1+s3], $0x80, v3, vm0, $0xb8;
	[tilespmem:$0x8600] =	vst v63  }
0x144: {  	v3 =	vld [tilespmem:$0x1A0];
	_ =	sdelay $0x4  }
0x145: {  	v58 =	vshll.u32 v3, $0x1  }
0x146: {  	v3 =	vand.u32 $0x7, v3;
	v4 =	vand.u32 $0xFFFFFFF0, v58  }
0x147: {  	v3 =	vor.u32 v3, v4  }
0x148: {  	v4 =	vperm.xlane v3, v0;
	_ =	sdelay $0x1  }
0x149: {  	v3 =	vperm.xlane v3, v2;
	v4 =	vadd.s32 v1, v4;
	_ =	sdelay $0x1  }
0x14a: {  	v3 =	vadd.s32 v1, v3;
	_ =	sdelay $0x2  }
0x14b: {  	[tilespmem:s14], [sflag:$0x1] =	stream.indirect_vreg.gather [hbm4b:s1+s3], $0x80, v4, vm0, $0xb8;
	[tilespmem:$0x8600] =	vst v63  }
0x14c: {  	_ = 	snop  }
0x14d: {  	[tilespmem:s15], [sflag:$0x1] =	stream.indirect_vreg.gather [hbm4b:s1+s3], $0x80, v3, vm0, $0xb8;
	[tilespmem:$0x8600] =	vst v63  }
0x14e: {  	v3 =	vld [tilespmem:$0x1B0];
	_ =	sdelay $0x4  }
0x14f: {  	v59 =	vshll.u32 v3, $0x1  }
0x150: {  	v3 =	vand.u32 $0x7, v3;
	v4 =	vand.u32 $0xFFFFFFF0, v59  }
0x151: {  	v3 =	vor.u32 v3, v4  }
0x152: {  	v4 =	vperm.xlane v3, v0;
	_ =	sdelay $0x1  }
0x153: {  	v3 =	vperm.xlane v3, v2;
	v4 =	vadd.s32 v1, v4;
	_ =	sdelay $0x1  }
0x154: {  	v3 =	vadd.s32 v1, v3;
	_ =	sdelay $0x2  }
0x155: {  	[tilespmem:s16], [sflag:$0x1] =	stream.indirect_vreg.gather [hbm4b:s1+s3], $0x80, v4, vm0, $0xb8;
	[tilespmem:$0x8600] =	vst v63  }
0x156: {  	_ = 	snop  }
0x157: {  	[tilespmem:s17], [sflag:$0x1] =	stream.indirect_vreg.gather [hbm4b:s1+s3], $0x80, v3, vm0, $0xb8;
	[tilespmem:$0x8600] =	vst v63  }
0x158: {  	v3 =	vld [tilespmem:$0x1C0];
	_ =	sdelay $0x4  }
0x159: {  	v60 =	vshll.u32 v3, $0x1  }
0x15a: {  	v3 =	vand.u32 $0x7, v3;
	v4 =	vand.u32 $0xFFFFFFF0, v60  }
0x15b: {  	v3 =	vor.u32 v3, v4  }
0x15c: {  	v4 =	vperm.xlane v3, v0;
	_ =	sdelay $0x1  }
0x15d: {  	v3 =	vperm.xlane v3, v2;
	v4 =	vadd.s32 v1, v4;
	_ =	sdelay $0x1  }
0x15e: {  	v3 =	vadd.s32 v1, v3;
	_ =	sdelay $0x2  }
0x15f: {  	[tilespmem:s18], [sflag:$0x1] =	stream.indirect_vreg.gather [hbm4b:s1+s3], $0x80, v4, vm0, $0xb8;
	[tilespmem:$0x8600] =	vst v63  }
0x160: {  	_ = 	snop  }
0x161: {  	[tilespmem:s19], [sflag:$0x1] =	stream.indirect_vreg.gather [hbm4b:s1+s3], $0x80, v3, vm0, $0xb8;
	[tilespmem:$0x8600] =	vst v63  }
0x162: {  	v3 =	vld [tilespmem:$0x1D0];
	_ =	sdelay $0x4  }
0x163: {  	v61 =	vshll.u32 v3, $0x1  }
0x164: {  	v3 =	vand.u32 $0x7, v3;
	v4 =	vand.u32 $0xFFFFFFF0, v61  }
0x165: {  	v3 =	vor.u32 v3, v4  }
0x166: {  	v4 =	vperm.xlane v3, v0;
	_ =	sdelay $0x1  }
0x167: {  	v3 =	vperm.xlane v3, v2;
	v4 =	vadd.s32 v1, v4;
	_ =	sdelay $0x1  }
0x168: {  	v3 =	vadd.s32 v1, v3;
	_ =	sdelay $0x2  }
0x169: {  	[tilespmem:s20], [sflag:$0x1] =	stream.indirect_vreg.gather [hbm4b:s1+s3], $0x80, v4, vm0, $0xb8;
	[tilespmem:$0x8600] =	vst v63  }
0x16a: {  	_ = 	snop  }
0x16b: {  	[tilespmem:s21], [sflag:$0x1] =	stream.indirect_vreg.gather [hbm4b:s1+s3], $0x80, v3, vm0, $0xb8;
	[tilespmem:$0x8600] =	vst v63  }
0x16c: {  	v3 =	vld [tilespmem:$0x1E0];
	_ =	sdelay $0x4  }
0x16d: {  	v62 =	vshll.u32 v3, $0x1  }
0x16e: {  	v3 =	vand.u32 $0x7, v3;
	v4 =	vand.u32 $0xFFFFFFF0, v62  }
0x16f: {  	v3 =	vor.u32 v3, v4  }
0x170: {  	v4 =	vperm.xlane v3, v0;
	_ =	sdelay $0x1  }
0x171: {  	v3 =	vperm.xlane v3, v2;
	v4 =	vadd.s32 v1, v4;
	_ =	sdelay $0x1  }
0x172: {  	v3 =	vadd.s32 v1, v3;
	_ =	sdelay $0x2  }
0x173: {  	[tilespmem:s22], [sflag:$0x1] =	stream.indirect_vreg.gather [hbm4b:s1+s3], $0x80, v4, vm0, $0xb8;
	[tilespmem:$0x8600] =	vst v63  }
0x174: {  	_ = 	snop  }
0x175: {  	[tilespmem:s23], [sflag:$0x1] =	stream.indirect_vreg.gather [hbm4b:s1+s3], $0x80, v3, vm0, $0xb8;
	[tilespmem:$0x8600] =	vst v63  }
0x176: {  	v3 =	vld [tilespmem:$0x1F0];
	_ =	sdelay $0x4  }
0x177: {  	v63 =	vshll.u32 v3, $0x1  }
0x178: {  	v3 =	vand.u32 $0x7, v3;
	v4 =	vand.u32 $0xFFFFFFF0, v63  }
0x179: {  	v3 =	vor.u32 v3, v4  }
0x17a: {  	v4 =	vperm.xlane v3, v0;
	_ =	sdelay $0x1  }
0x17b: {  	v3 =	vperm.xlane v3, v2;
	v4 =	vadd.s32 v1, v4;
	_ =	sdelay $0x1  }
0x17c: {  	v3 =	vadd.s32 v1, v3;
	_ =	sdelay $0x2  }
0x17d: {  	[tilespmem:s24], [sflag:$0x1] =	stream.indirect_vreg.gather [hbm4b:s1+s3], $0x80, v4, vm0, $0xb8;
	[tilespmem:$0x8600] =	vst v63  }
0x17e: {  	_ = 	snop  }
0x17f: {  	[tilespmem:s25], [sflag:$0x1] =	stream.indirect_vreg.gather [hbm4b:s1+s3], $0x80, v3, vm0, $0xb8;
	[tilespmem:$0x8600] =	vst v63  }
0x180: {  	_ =	swait.ge [sflag:s26], $0x8000  }
0x181: {  	[sflag:s26] =	ssyncset.done $0x0  }
0x182: {  	s31 =	rddreg [dreg:$0xa];
	[sflag:s26] =	ssyncadd.s32 $0xFFFF8000  }
0x183: {  	[hbm4b:s31+s3] =	stream.linear.scatter [tilespmem:s10], [sflag:$0x2], $0x8000, $0x38;
	[tilespmem:$0x8600] =	vst v63  }
0x184: {  	s6 =	sadd.s32 $0xFFFFFFFF, s6;
	_ =	swait.ge [sflag:s7], $0x8000  }
0x185: {  	p1 =	sne.s32 s6, $0x0;
	[sflag:s7] =	ssyncset.done $0x0  }
0x186: {  	s30 =	simm.s32 @!p0 $0x1;
	s0 =	simm.s32 @!p0 $0x10;
	[sflag:s7] =	ssyncadd.s32 $0xFFFF8000  }
.Ltmp0:
0x187: {  	s31 =	simm.s32 @!p0 $0x20;
	[bflag:$0x0] =	sbarrier.arrive $0xFFFF;
	(pc) =	sbr.rel @p1 .LBB2_1-.Ltmp0, $4  }
0x188: {  	[hbm:s5@s31], [sflag:s29] =	dma.strided @!p0 [spmem:s8@s0], $0x400, s30, $0x10   }
0x189: {  	_ =	swait.ge @!p0 [sflag:s28], $0x400  }
0x18a: {  	[sflag:s28] =	ssyncset.done @!p0 $0x0  }
0x18b: {  	[sflag:s28] =	ssyncadd.s32 @!p0 $0xFFFFFC00  }
0x18c: {  	_ =	sfence.sel $0x180000  }
0x18d: {  	[bflag:$0x0] =	sbarrier.arrive $0xFFFF  }
0x18e: {  	_ =	strace $0x90000047  }
0x18f: {  	[bflag:$0x2] =	sbarrier.arrive $0xFFFF  }
0x190: {  	s0 =	rddreg [dreg:$0x4]  }
0x191: {  	s0 =	sadd.s32 @!p0 $0x100000, s0  }
0x192: {  	[sflag:s0] =	ssyncadd.tile.s32 @!p0 $0x1;
	_ =	shalt  }
.Lfunc_end2:
_tile_overlayer_lowered:
.L_overlay_start_2:
0x193: {  	(tag) =	ssettag $0x2  }
0x194: {  	s0 =	rddreg [dreg:$0x0];
	s2 =	stileid.u32  }
0x195: {  	s1 =	rddreg [dreg:$0x1];
	p0 =	sne.s32 s2, $0x0  }
0x196: {  	s3 =	rddreg [dreg:$0x2];
	[bflag:$0x3] =	sbarrier.arrive $0xFFFF;
	s2 =	simm.s32 @!p0 $0x1C02  }
0x197: {  	[timem:s3], [sflag:s2] =	dma.local @!p0 [hbm:s0], s1  }
0x198: {  	s0 =	simm.s32 @!p0 $0x2  }
0x199: {  	_ =	swait.ge @!p0 [sflag:s0], s1  }
0x19a: {  	s1 =	ssub.s32 @!p0 $0x0, s1;
	[sflag:s0] =	ssyncset.done @!p0 $0x0  }
0x19b: {  	[sflag:s0] =	ssyncadd.s32 @!p0 s1  }
0x19c: {  	[bflag:$0x3] =	sbarrier.arrive $0xFFFF  }
0x19d: {  	_ =	shalt  }

</sc_bundles>
